<compile_context>
chip_gen: v7x
topology: tpu7x:2x2x1
jax: 0.10.2.dev20260603
libtpu: 0.0.44.dev20260713+nightly
codegen_flags: <defaults>
</compile_context>

<pallas_src>
import functools

import jax
import jax.numpy as jnp
from jax import lax
from jax.experimental import pallas as pl
from jax.experimental.pallas import tpu as pltpu
from jax.experimental.pallas import tpu_sc as plsc

_B = 64
_IMG = 224
_P = 16
_D = 768
_K = 512
_H = _IMG // _P
_N = _B * _H * _H
_MASK_RATIO = 0.4

_BI = 2
_BM = _BI * _H * _H
_G = _B // _BI

_NC = 2
_NS = 16
_NW = _NC * _NS
_RPW = _N // _NW
_CH = 56
_NCH = _RPW // _CH


def _vq_block(p_ref, pw_ref, pb_ref, m_ref, cb_ref, cbn_ref, idx_ref, minv_ref):
    p6 = p_ref[...].reshape(_BI, 3, _H, _P, _H, _P)
    patches = jnp.transpose(p6, (0, 2, 4, 1, 3, 5)).reshape(_BM, _D)
    tok = lax.dot_general(patches, pw_ref[...], (((1,), (1,)), ((), ())),
                          preferred_element_type=jnp.float32)
    tok = tok + pb_ref[...]
    tok = jnp.where(m_ref[...] != 0.0, 0.0, tok)
    s = lax.dot_general(tok, cb_ref[...], (((1,), (1,)), ((), ())),
                        preferred_element_type=jnp.float32)
    r = jnp.sum(tok * tok, axis=1, keepdims=True)
    d = (r + cbn_ref[...]) - 2.0 * s
    minv = jnp.min(d, axis=1, keepdims=True)
    ks = lax.broadcasted_iota(jnp.int32, d.shape, 1)
    idx = jnp.min(jnp.where(d == minv, ks, _K), axis=1)
    idx_ref[...] = idx.astype(jnp.int32).reshape(_BM, 1)
    minv_ref[...] = minv.reshape(_BM, 1)


def _encode_vq(patches, pw, pb, maskf, cb, cbn):
    nimg = patches.shape[0]
    ntok = nimg * _H * _H
    return pl.pallas_call(
        _vq_block,
        grid=(nimg // _BI,),
        in_specs=[
            pl.BlockSpec((_BI, 3, _IMG, _IMG), lambda i: (i, 0, 0, 0)),
            pl.BlockSpec((_D, _D), lambda i: (0, 0)),
            pl.BlockSpec((1, _D), lambda i: (0, 0)),
            pl.BlockSpec((_BM, 1), lambda i: (i, 0)),
            pl.BlockSpec((_K, _D), lambda i: (0, 0)),
            pl.BlockSpec((1, _K), lambda i: (0, 0)),
        ],
        out_specs=[
            pl.BlockSpec((_BM, 1), lambda i: (i, 0)),
            pl.BlockSpec((_BM, 1), lambda i: (i, 0)),
        ],
        out_shape=[
            jax.ShapeDtypeStruct((ntok, 1), jnp.int32),
            jax.ShapeDtypeStruct((ntok, 1), jnp.float32),
        ],
    )(patches, pw, pb, maskf, cb, cbn)


def _dec_cb_block(cb_ref, dw_ref, db_ref, out_ref):
    out_ref[...] = lax.dot_general(
        cb_ref[...], dw_ref[...], (((1,), (1,)), ((), ())),
        preferred_element_type=jnp.float32) + db_ref[...]


def _decode_codebook(cb, dw, db):
    return pl.pallas_call(
        _dec_cb_block,
        out_shape=jax.ShapeDtypeStruct((_K, _D), jnp.float32),
    )(cb, dw, db)


def _sc_gather_rows_half(table, idx2):
    mesh = plsc.VectorSubcoreMesh(core_axis_name="c", subcore_axis_name="s")

    @functools.partial(
        pl.kernel,
        out_type=jax.ShapeDtypeStruct((_NW, 224, _D), jnp.float32),
        mesh=mesh,
        scratch_types=[
            pltpu.VMEM((200,), jnp.int32),
            pltpu.VMEM((56, _D), jnp.float32),
            pltpu.SemaphoreType.DMA,
        ],
    )
    def gk(table_hbm, idx_hbm, out_hbm, idx_v, rows_v, sem):
        wid = lax.axis_index("s") * _NC + lax.axis_index("c")
        pltpu.sync_copy(idx_hbm.at[wid], idx_v)
        for j, (off, sz) in enumerate(((0, 56), (56, 56), (112, 56), (168, 32))):
            src = table_hbm.at[idx_v.at[pl.ds(off, sz)]]
            dst = rows_v.at[pl.ds(0, sz)]
            pltpu.async_copy(src, dst, sem).wait()
            pltpu.sync_copy(dst, out_hbm.at[wid, pl.ds(off, sz)])

    return gk(table, idx2)


def kernel(x, patch_w, patch_b, codebook_w, dec_w, dec_b):
    pw = patch_w.reshape(_D, _D)
    pb = patch_b.reshape(1, _D)
    mask = jax.random.uniform(jax.random.key(42), (_B, _H * _H)) < _MASK_RATIO
    maskf = mask.astype(jnp.float32).reshape(_N, 1)
    cbn = jnp.sum(codebook_w ** 2, axis=1).reshape(1, _K)
    dec_cb = _decode_codebook(codebook_w, dec_w, dec_b.reshape(1, _D))

    hb = _B // 2
    ht = _N // 2
    recons, msums = [], []
    for h in range(2):
        idx_h, minv_h = _encode_vq(
            x[h * hb:(h + 1) * hb], pw, pb,
            maskf[h * ht:(h + 1) * ht], codebook_w, cbn)
        idx_p = jnp.pad(idx_h.reshape(_NW, 196), ((0, 0), (0, 4)))
        slab = _sc_gather_rows_half(dec_cb, idx_p)
        toks = slab[:, :196, :].reshape(hb, _H, _H, _P, _P, 3)
        recons.append(toks.transpose(0, 5, 1, 3, 2, 4)
                          .reshape(hb, 3, _IMG, _IMG))
        msums.append(jnp.sum(minv_h))
    recon = jnp.concatenate(recons, axis=0)
    m = (msums[0] + msums[1]) * (1.0 / (_N * _D))
    vq_loss = m + 0.25 * m
    return recon, vq_loss

# --- scband reference (transcript-rebuilt; emitter-appended) ---
"""Pipeline reference for scband-maevqmodel-78821239816222 (READ-ONLY COPY).

The authoritative reference and input builder live on the scoring server;
editing this copy changes nothing except your own understanding.
"""

import jax, jax.numpy as jnp
import numpy as np

B = 64
IMG = 224
PATCH = 16
EMBED = 768
K = 512
OUT_C = 3
MASK_RATIO = 0.4


def setup_inputs(seed: int = 0) -> dict:
    key = jax.random.key(seed)
    ks = jax.random.split(key, 6)
    x = jax.random.normal(ks[0], (B, 3, IMG, IMG), dtype=jnp.float32)
    # vit.patch_embed: Conv2d(3, 768, kernel_size=16, stride=16)
    patch_w = jax.random.normal(ks[1], (EMBED, 3, PATCH, PATCH), dtype=jnp.float32) * 0.02
    patch_b = jnp.zeros((EMBED,), dtype=jnp.float32)
    # VectorQuantizer codebook, initialized uniform(-1/K, 1/K)
    codebook_w = jax.random.uniform(ks[2], (K, EMBED), dtype=jnp.float32, minval=-1.0 / K, maxval=1.0 / K)
    # SimpleDecoder linear: nn.Linear(768, 16*16*3=768); torch weight is [out, in]
    dec_w = jax.random.normal(ks[3], (PATCH * PATCH * OUT_C, EMBED), dtype=jnp.float32) * 0.02
    dec_b = jnp.zeros((PATCH * PATCH * OUT_C,), dtype=jnp.float32)
    return {"x": x, "patch_w": patch_w, "patch_b": patch_b, "codebook_w": codebook_w, "dec_w": dec_w, "dec_b": dec_b}


def reference(x, patch_w, patch_b, codebook_w, dec_w, dec_b):
    # encoder: patch embed conv
    feat = jax.lax.conv_general_dilated(
        x, patch_w, window_strides=(PATCH, PATCH), padding="VALID",
        dimension_numbers=("NCHW", "OIHW", "NCHW"))
    feat = feat + patch_b[None, :, None, None]
    b, d, h, w = feat.shape
    tok = jnp.transpose(feat, (0, 2, 3, 1)).reshape(b, h * w, d)
    n = h * w
    # random masking (torch.rand < mask_ratio), deterministic key here
    mask = jax.random.uniform(jax.random.key(42), (b, n)) < MASK_RATIO
    x_masked = jnp.where(mask[..., None], 0.0, tok)
    # VectorQuantizer
    flat = x_masked.reshape(-1, d)
    distances = (jnp.sum(flat ** 2, axis=1, keepdims=True)
                 + jnp.sum(codebook_w ** 2, axis=1)
                 - 2.0 * jnp.matmul(flat, codebook_w.T))
    encoding_indices = jnp.argmin(distances, axis=1)
    encodings = jax.nn.one_hot(encoding_indices, K, dtype=flat.dtype)
    quantized = jnp.matmul(encodings, codebook_w).reshape(x_masked.shape)
    e_latent_loss = jnp.mean((jax.lax.stop_gradient(quantized) - x_masked) ** 2)
    q_latent_loss = jnp.mean((quantized - jax.lax.stop_gradient(x_masked)) ** 2)
    vq_loss = q_latent_loss + 0.25 * e_latent_loss
    quantized = x_masked + jax.lax.stop_gradient(quantized - x_masked)
    # SimpleDecoder
    lin = jnp.matmul(quantized, dec_w.T) + dec_b  # [b, n, p*p*c]
    r = lin.reshape(b, h, w, PATCH, PATCH, OUT_C)
    recon = jnp.transpose(r, (0, 5, 1, 3, 2, 4)).reshape(b, OUT_C, h * PATCH, w * PATCH)
    return recon, vq_loss

if __name__ == "__main__":
    import jax
    _d = setup_inputs()
    print(jax.jit(kernel)(*tuple(_d.values())))

</pallas_src>

<mosaic_0001>
#map = affine_map<(d0, d1) -> (0, 0)>
#map1 = affine_map<(d0, d1) -> (0, 0, 0)>
module attributes {stable_mosaic.version = 14 : i64} {
  func.func @gk(%arg0: i32, %arg1: i32, %arg2: memref<512x768xf32, #tpu.memory_space<hbm>>, %arg3: memref<32x200xi32, #tpu.memory_space<hbm>>, %arg4: memref<32x224x768xf32, #tpu.memory_space<hbm>>, %arg5: memref<200xi32, #tpu.memory_space<vmem>>, %arg6: memref<56x768xf32, #tpu.memory_space<vmem>>, %arg7: memref<!tpu.dma_semaphore, #tpu.memory_space<semaphore_mem>>) attributes {dimension_semantics = [#tpu.dimension_semantics<core_parallel>, #tpu.dimension_semantics<subcore_parallel>], iteration_bounds = array<i64: 2, 16>, scalar_prefetch = 0 : i64, scratch_operands = 3 : i64, tpu.core_type = #tpu.core_type<sc_vector_subcore>, window_params = [{transform_indices = #map}, {transform_indices = #map}, {transform_indices = #map1}]} {
    %mul3A = arith.constant 2 : i32
    %mul3A_0 = arith.muli %arg1, %mul3A : i32
    %add3A = arith.addi %mul3A_0, %arg0 : i32
    "tpu.region"() ({
      %run_scoped3A = tpu.sem_alloc : memref<!tpu.dma_semaphore, #tpu.memory_space<semaphore_mem>>
      %dma_start3A_63 = arith.constant 0 : i32
      %dma_start3A_64 = tpu.memref_slice %arg3[%add3A, %dma_start3A_63] : memref<32x200xi32, #tpu.memory_space<hbm>> -> memref<1x200xi32, #tpu.memory_space<hbm>>
      %dma_start3A_65 = tpu.memref_squeeze %dma_start3A_64 : memref<1x200xi32, #tpu.memory_space<hbm>> -> memref<200xi32, #tpu.memory_space<hbm>>
      %dma_start3A_66 = arith.constant 0 : i32
      %dma_start3A_67 = tpu.memref_slice %arg3[%add3A, %dma_start3A_66] : memref<32x200xi32, #tpu.memory_space<hbm>> -> memref<1x200xi32, #tpu.memory_space<hbm>>
      %dma_start3A_68 = tpu.memref_squeeze %dma_start3A_67 : memref<1x200xi32, #tpu.memory_space<hbm>> -> memref<200xi32, #tpu.memory_space<hbm>>
      tpu.enqueue_dma source(%dma_start3A_68 : memref<200xi32, #tpu.memory_space<hbm>>) target(%arg5 : memref<200xi32, #tpu.memory_space<vmem>>) target_semaphore(%run_scoped3A : memref<!tpu.dma_semaphore, #tpu.memory_space<semaphore_mem>>)
      %dma_wait3A_69 = arith.constant 0 : i32
      %dma_wait3A_70 = tpu.memref_slice %arg3[%add3A, %dma_wait3A_69] : memref<32x200xi32, #tpu.memory_space<hbm>> -> memref<1x200xi32, #tpu.memory_space<hbm>>
      %dma_wait3A_71 = tpu.memref_squeeze %dma_wait3A_70 : memref<1x200xi32, #tpu.memory_space<hbm>> -> memref<200xi32, #tpu.memory_space<hbm>>
      %dma_wait3A_72 = arith.constant 0 : i32
      %dma_wait3A_73 = tpu.memref_slice %arg3[%add3A, %dma_wait3A_72] : memref<32x200xi32, #tpu.memory_space<hbm>> -> memref<1x200xi32, #tpu.memory_space<hbm>>
      %dma_wait3A_74 = tpu.memref_squeeze %dma_wait3A_73 : memref<1x200xi32, #tpu.memory_space<hbm>> -> memref<200xi32, #tpu.memory_space<hbm>>
      tpu.wait_dma2 semaphore(%run_scoped3A : memref<!tpu.dma_semaphore, #tpu.memory_space<semaphore_mem>>) src(%dma_wait3A_74 : memref<200xi32, #tpu.memory_space<hbm>>) dst(%arg5 : memref<200xi32, #tpu.memory_space<vmem>>)
      tpu.yield
    }) : () -> ()
    %dma_start3A = arith.constant 0 : i32
    %dma_start3A_1 = arith.constant 0 : i32
    %dma_start3A_2 = tpu.memref_slice %arg6[%dma_start3A, %dma_start3A_1] : memref<56x768xf32, #tpu.memory_space<vmem>> -> memref<56x768xf32, #tpu.memory_space<vmem>>
    %dma_start3A_3 = arith.constant 0 : i32
    %dma_start3A_4 = tpu.memref_slice %arg5[%dma_start3A_3] : memref<200xi32, #tpu.memory_space<vmem>> -> memref<56xi32, #tpu.memory_space<vmem>>
    %dma_start3A_5 = arith.constant 0 : i32
    %dma_start3A_6 = arith.constant 0 : i32
    %dma_start3A_7 = tpu.memref_slice %arg2[%dma_start3A_5, %dma_start3A_6] : memref<512x768xf32, #tpu.memory_space<hbm>> -> memref<512x768xf32, #tpu.memory_space<hbm>>
    tpu.enqueue_indirect_dma source(%dma_start3A_7 : memref<512x768xf32, #tpu.memory_space<hbm>>) target(%dma_start3A_2 : memref<56x768xf32, #tpu.memory_space<vmem>>) offsets(%dma_start3A_4 : memref<56xi32, #tpu.memory_space<vmem>>) semaphore(%arg7 : memref<!tpu.dma_semaphore, #tpu.memory_space<semaphore_mem>>)
    %dma_wait3A = arith.constant 0 : i32
    %dma_wait3A_8 = arith.constant 0 : i32
    %dma_wait3A_9 = tpu.memref_slice %arg6[%dma_wait3A, %dma_wait3A_8] : memref<56x768xf32, #tpu.memory_space<vmem>> -> memref<56x768xf32, #tpu.memory_space<vmem>>
    %dma_wait3A_10 = arith.constant 0 : i32
    %dma_wait3A_11 = tpu.memref_slice %arg5[%dma_wait3A_10] : memref<200xi32, #tpu.memory_space<vmem>> -> memref<56xi32, #tpu.memory_space<vmem>>
    %dma_wait3A_12 = arith.constant 0 : i32
    %dma_wait3A_13 = arith.constant 0 : i32
    %dma_wait3A_14 = tpu.memref_slice %arg2[%dma_wait3A_12, %dma_wait3A_13] : memref<512x768xf32, #tpu.memory_space<hbm>> -> memref<512x768xf32, #tpu.memory_space<hbm>>
    tpu.wait_indirect_dma semaphore(%arg7 : memref<!tpu.dma_semaphore, #tpu.memory_space<semaphore_mem>>) src(%dma_wait3A_14 : memref<512x768xf32, #tpu.memory_space<hbm>>) dst(%dma_wait3A_9 : memref<56x768xf32, #tpu.memory_space<vmem>>)
    "tpu.region"() ({
      %run_scoped3A = tpu.sem_alloc : memref<!tpu.dma_semaphore, #tpu.memory_space<semaphore_mem>>
      %dma_start3A_63 = arith.constant 0 : i32
      %dma_start3A_64 = arith.constant 0 : i32
      %dma_start3A_65 = tpu.memref_slice %arg6[%dma_start3A_63, %dma_start3A_64] : memref<56x768xf32, #tpu.memory_space<vmem>> -> memref<56x768xf32, #tpu.memory_space<vmem>>
      %dma_start3A_66 = arith.constant 0 : i32
      %dma_start3A_67 = arith.constant 0 : i32
      %dma_start3A_68 = tpu.memref_slice %arg4[%add3A, %dma_start3A_66, %dma_start3A_67] : memref<32x224x768xf32, #tpu.memory_space<hbm>> -> memref<1x56x768xf32, #tpu.memory_space<hbm>>
      %dma_start3A_69 = tpu.memref_squeeze %dma_start3A_68 : memref<1x56x768xf32, #tpu.memory_space<hbm>> -> memref<56x768xf32, #tpu.memory_space<hbm>>
      %dma_start3A_70 = arith.constant 0 : i32
      %dma_start3A_71 = arith.constant 0 : i32
      %dma_start3A_72 = tpu.memref_slice %arg4[%add3A, %dma_start3A_70, %dma_start3A_71] : memref<32x224x768xf32, #tpu.memory_space<hbm>> -> memref<1x56x768xf32, #tpu.memory_space<hbm>>
      %dma_start3A_73 = tpu.memref_squeeze %dma_start3A_72 : memref<1x56x768xf32, #tpu.memory_space<hbm>> -> memref<56x768xf32, #tpu.memory_space<hbm>>
      %dma_start3A_74 = arith.constant 0 : i32
      %dma_start3A_75 = arith.constant 0 : i32
      %dma_start3A_76 = tpu.memref_slice %arg6[%dma_start3A_74, %dma_start3A_75] : memref<56x768xf32, #tpu.memory_space<vmem>> -> memref<56x768xf32, #tpu.memory_space<vmem>>
      tpu.enqueue_dma source(%dma_start3A_76 : memref<56x768xf32, #tpu.memory_space<vmem>>) target(%dma_start3A_73 : memref<56x768xf32, #tpu.memory_space<hbm>>) target_semaphore(%run_scoped3A : memref<!tpu.dma_semaphore, #tpu.memory_space<semaphore_mem>>)
      %dma_wait3A_77 = arith.constant 0 : i32
      %dma_wait3A_78 = arith.constant 0 : i32
      %dma_wait3A_79 = tpu.memref_slice %arg6[%dma_wait3A_77, %dma_wait3A_78] : memref<56x768xf32, #tpu.memory_space<vmem>> -> memref<56x768xf32, #tpu.memory_space<vmem>>
      %dma_wait3A_80 = arith.constant 0 : i32
      %dma_wait3A_81 = arith.constant 0 : i32
      %dma_wait3A_82 = tpu.memref_slice %arg4[%add3A, %dma_wait3A_80, %dma_wait3A_81] : memref<32x224x768xf32, #tpu.memory_space<hbm>> -> memref<1x56x768xf32, #tpu.memory_space<hbm>>
      %dma_wait3A_83 = tpu.memref_squeeze %dma_wait3A_82 : memref<1x56x768xf32, #tpu.memory_space<hbm>> -> memref<56x768xf32, #tpu.memory_space<hbm>>
      %dma_wait3A_84 = arith.constant 0 : i32
      %dma_wait3A_85 = arith.constant 0 : i32
      %dma_wait3A_86 = tpu.memref_slice %arg4[%add3A, %dma_wait3A_84, %dma_wait3A_85] : memref<32x224x768xf32, #tpu.memory_space<hbm>> -> memref<1x56x768xf32, #tpu.memory_space<hbm>>
      %dma_wait3A_87 = tpu.memref_squeeze %dma_wait3A_86 : memref<1x56x768xf32, #tpu.memory_space<hbm>> -> memref<56x768xf32, #tpu.memory_space<hbm>>
      %dma_wait3A_88 = arith.constant 0 : i32
      %dma_wait3A_89 = arith.constant 0 : i32
      %dma_wait3A_90 = tpu.memref_slice %arg6[%dma_wait3A_88, %dma_wait3A_89] : memref<56x768xf32, #tpu.memory_space<vmem>> -> memref<56x768xf32, #tpu.memory_space<vmem>>
      tpu.wait_dma2 semaphore(%run_scoped3A : memref<!tpu.dma_semaphore, #tpu.memory_space<semaphore_mem>>) src(%dma_wait3A_90 : memref<56x768xf32, #tpu.memory_space<vmem>>) dst(%dma_wait3A_87 : memref<56x768xf32, #tpu.memory_space<hbm>>)
      tpu.yield
    }) : () -> ()
    %dma_start3A_15 = arith.constant 0 : i32
    %dma_start3A_16 = arith.constant 0 : i32
    %dma_start3A_17 = tpu.memref_slice %arg6[%dma_start3A_15, %dma_start3A_16] : memref<56x768xf32, #tpu.memory_space<vmem>> -> memref<56x768xf32, #tpu.memory_space<vmem>>
    %dma_start3A_18 = arith.constant 56 : i32
    %dma_start3A_19 = tpu.memref_slice %arg5[%dma_start3A_18] : memref<200xi32, #tpu.memory_space<vmem>> -> memref<56xi32, #tpu.memory_space<vmem>>
    %dma_start3A_20 = arith.constant 0 : i32
    %dma_start3A_21 = arith.constant 0 : i32
    %dma_start3A_22 = tpu.memref_slice %arg2[%dma_start3A_20, %dma_start3A_21] : memref<512x768xf32, #tpu.memory_space<hbm>> -> memref<512x768xf32, #tpu.memory_space<hbm>>
    tpu.enqueue_indirect_dma source(%dma_start3A_22 : memref<512x768xf32, #tpu.memory_space<hbm>>) target(%dma_start3A_17 : memref<56x768xf32, #tpu.memory_space<vmem>>) offsets(%dma_start3A_19 : memref<56xi32, #tpu.memory_space<vmem>>) semaphore(%arg7 : memref<!tpu.dma_semaphore, #tpu.memory_space<semaphore_mem>>)
    %dma_wait3A_23 = arith.constant 0 : i32
    %dma_wait3A_24 = arith.constant 0 : i32
    %dma_wait3A_25 = tpu.memref_slice %arg6[%dma_wait3A_23, %dma_wait3A_24] : memref<56x768xf32, #tpu.memory_space<vmem>> -> memref<56x768xf32, #tpu.memory_space<vmem>>
    %dma_wait3A_26 = arith.constant 56 : i32
    %dma_wait3A_27 = tpu.memref_slice %arg5[%dma_wait3A_26] : memref<200xi32, #tpu.memory_space<vmem>> -> memref<56xi32, #tpu.memory_space<vmem>>
    %dma_wait3A_28 = arith.constant 0 : i32
    %dma_wait3A_29 = arith.constant 0 : i32
    %dma_wait3A_30 = tpu.memref_slice %arg2[%dma_wait3A_28, %dma_wait3A_29] : memref<512x768xf32, #tpu.memory_space<hbm>> -> memref<512x768xf32, #tpu.memory_space<hbm>>
    tpu.wait_indirect_dma semaphore(%arg7 : memref<!tpu.dma_semaphore, #tpu.memory_space<semaphore_mem>>) src(%dma_wait3A_30 : memref<512x768xf32, #tpu.memory_space<hbm>>) dst(%dma_wait3A_25 : memref<56x768xf32, #tpu.memory_space<vmem>>)
    "tpu.region"() ({
      %run_scoped3A = tpu.sem_alloc : memref<!tpu.dma_semaphore, #tpu.memory_space<semaphore_mem>>
      %dma_start3A_63 = arith.constant 0 : i32
      %dma_start3A_64 = arith.constant 0 : i32
      %dma_start3A_65 = tpu.memref_slice %arg6[%dma_start3A_63, %dma_start3A_64] : memref<56x768xf32, #tpu.memory_space<vmem>> -> memref<56x768xf32, #tpu.memory_space<vmem>>
      %dma_start3A_66 = arith.constant 56 : i32
      %dma_start3A_67 = arith.constant 0 : i32
      %dma_start3A_68 = tpu.memref_slice %arg4[%add3A, %dma_start3A_66, %dma_start3A_67] : memref<32x224x768xf32, #tpu.memory_space<hbm>> -> memref<1x56x768xf32, #tpu.memory_space<hbm>>
      %dma_start3A_69 = tpu.memref_squeeze %dma_start3A_68 : memref<1x56x768xf32, #tpu.memory_space<hbm>> -> memref<56x768xf32, #tpu.memory_space<hbm>>
      %dma_start3A_70 = arith.constant 56 : i32
      %dma_start3A_71 = arith.constant 0 : i32
      %dma_start3A_72 = tpu.memref_slice %arg4[%add3A, %dma_start3A_70, %dma_start3A_71] : memref<32x224x768xf32, #tpu.memory_space<hbm>> -> memref<1x56x768xf32, #tpu.memory_space<hbm>>
      %dma_start3A_73 = tpu.memref_squeeze %dma_start3A_72 : memref<1x56x768xf32, #tpu.memory_space<hbm>> -> memref<56x768xf32, #tpu.memory_space<hbm>>
      %dma_start3A_74 = arith.constant 0 : i32
      %dma_start3A_75 = arith.constant 0 : i32
      %dma_start3A_76 = tpu.memref_slice %arg6[%dma_start3A_74, %dma_start3A_75] : memref<56x768xf32, #tpu.memory_space<vmem>> -> memref<56x768xf32, #tpu.memory_space<vmem>>
      tpu.enqueue_dma source(%dma_start3A_76 : memref<56x768xf32, #tpu.memory_space<vmem>>) target(%dma_start3A_73 : memref<56x768xf32, #tpu.memory_space<hbm>>) target_semaphore(%run_scoped3A : memref<!tpu.dma_semaphore, #tpu.memory_space<semaphore_mem>>)
      %dma_wait3A_77 = arith.constant 0 : i32
      %dma_wait3A_78 = arith.constant 0 : i32
      %dma_wait3A_79 = tpu.memref_slice %arg6[%dma_wait3A_77, %dma_wait3A_78] : memref<56x768xf32, #tpu.memory_space<vmem>> -> memref<56x768xf32, #tpu.memory_space<vmem>>
      %dma_wait3A_80 = arith.constant 56 : i32
      %dma_wait3A_81 = arith.constant 0 : i32
      %dma_wait3A_82 = tpu.memref_slice %arg4[%add3A, %dma_wait3A_80, %dma_wait3A_81] : memref<32x224x768xf32, #tpu.memory_space<hbm>> -> memref<1x56x768xf32, #tpu.memory_space<hbm>>
      %dma_wait3A_83 = tpu.memref_squeeze %dma_wait3A_82 : memref<1x56x768xf32, #tpu.memory_space<hbm>> -> memref<56x768xf32, #tpu.memory_space<hbm>>
      %dma_wait3A_84 = arith.constant 56 : i32
      %dma_wait3A_85 = arith.constant 0 : i32
      %dma_wait3A_86 = tpu.memref_slice %arg4[%add3A, %dma_wait3A_84, %dma_wait3A_85] : memref<32x224x768xf32, #tpu.memory_space<hbm>> -> memref<1x56x768xf32, #tpu.memory_space<hbm>>
      %dma_wait3A_87 = tpu.memref_squeeze %dma_wait3A_86 : memref<1x56x768xf32, #tpu.memory_space<hbm>> -> memref<56x768xf32, #tpu.memory_space<hbm>>
      %dma_wait3A_88 = arith.constant 0 : i32
      %dma_wait3A_89 = arith.constant 0 : i32
      %dma_wait3A_90 = tpu.memref_slice %arg6[%dma_wait3A_88, %dma_wait3A_89] : memref<56x768xf32, #tpu.memory_space<vmem>> -> memref<56x768xf32, #tpu.memory_space<vmem>>
      tpu.wait_dma2 semaphore(%run_scoped3A : memref<!tpu.dma_semaphore, #tpu.memory_space<semaphore_mem>>) src(%dma_wait3A_90 : memref<56x768xf32, #tpu.memory_space<vmem>>) dst(%dma_wait3A_87 : memref<56x768xf32, #tpu.memory_space<hbm>>)
      tpu.yield
    }) : () -> ()
    %dma_start3A_31 = arith.constant 0 : i32
    %dma_start3A_32 = arith.constant 0 : i32
    %dma_start3A_33 = tpu.memref_slice %arg6[%dma_start3A_31, %dma_start3A_32] : memref<56x768xf32, #tpu.memory_space<vmem>> -> memref<56x768xf32, #tpu.memory_space<vmem>>
    %dma_start3A_34 = arith.constant 112 : i32
    %dma_start3A_35 = tpu.memref_slice %arg5[%dma_start3A_34] : memref<200xi32, #tpu.memory_space<vmem>> -> memref<56xi32, #tpu.memory_space<vmem>>
    %dma_start3A_36 = arith.constant 0 : i32
    %dma_start3A_37 = arith.constant 0 : i32
    %dma_start3A_38 = tpu.memref_slice %arg2[%dma_start3A_36, %dma_start3A_37] : memref<512x768xf32, #tpu.memory_space<hbm>> -> memref<512x768xf32, #tpu.memory_space<hbm>>
    tpu.enqueue_indirect_dma source(%dma_start3A_38 : memref<512x768xf32, #tpu.memory_space<hbm>>) target(%dma_start3A_33 : memref<56x768xf32, #tpu.memory_space<vmem>>) offsets(%dma_start3A_35 : memref<56xi32, #tpu.memory_space<vmem>>) semaphore(%arg7 : memref<!tpu.dma_semaphore, #tpu.memory_space<semaphore_mem>>)
    %dma_wait3A_39 = arith.constant 0 : i32
    %dma_wait3A_40 = arith.constant 0 : i32
    %dma_wait3A_41 = tpu.memref_slice %arg6[%dma_wait3A_39, %dma_wait3A_40] : memref<56x768xf32, #tpu.memory_space<vmem>> -> memref<56x768xf32, #tpu.memory_space<vmem>>
    %dma_wait3A_42 = arith.constant 112 : i32
    %dma_wait3A_43 = tpu.memref_slice %arg5[%dma_wait3A_42] : memref<200xi32, #tpu.memory_space<vmem>> -> memref<56xi32, #tpu.memory_space<vmem>>
    %dma_wait3A_44 = arith.constant 0 : i32
    %dma_wait3A_45 = arith.constant 0 : i32
    %dma_wait3A_46 = tpu.memref_slice %arg2[%dma_wait3A_44, %dma_wait3A_45] : memref<512x768xf32, #tpu.memory_space<hbm>> -> memref<512x768xf32, #tpu.memory_space<hbm>>
    tpu.wait_indirect_dma semaphore(%arg7 : memref<!tpu.dma_semaphore, #tpu.memory_space<semaphore_mem>>) src(%dma_wait3A_46 : memref<512x768xf32, #tpu.memory_space<hbm>>) dst(%dma_wait3A_41 : memref<56x768xf32, #tpu.memory_space<vmem>>)
    "tpu.region"() ({
      %run_scoped3A = tpu.sem_alloc : memref<!tpu.dma_semaphore, #tpu.memory_space<semaphore_mem>>
      %dma_start3A_63 = arith.constant 0 : i32
      %dma_start3A_64 = arith.constant 0 : i32
      %dma_start3A_65 = tpu.memref_slice %arg6[%dma_start3A_63, %dma_start3A_64] : memref<56x768xf32, #tpu.memory_space<vmem>> -> memref<56x768xf32, #tpu.memory_space<vmem>>
      %dma_start3A_66 = arith.constant 112 : i32
      %dma_start3A_67 = arith.constant 0 : i32
      %dma_start3A_68 = tpu.memref_slice %arg4[%add3A, %dma_start3A_66, %dma_start3A_67] : memref<32x224x768xf32, #tpu.memory_space<hbm>> -> memref<1x56x768xf32, #tpu.memory_space<hbm>>
      %dma_start3A_69 = tpu.memref_squeeze %dma_start3A_68 : memref<1x56x768xf32, #tpu.memory_space<hbm>> -> memref<56x768xf32, #tpu.memory_space<hbm>>
      %dma_start3A_70 = arith.constant 112 : i32
      %dma_start3A_71 = arith.constant 0 : i32
      %dma_start3A_72 = tpu.memref_slice %arg4[%add3A, %dma_start3A_70, %dma_start3A_71] : memref<32x224x768xf32, #tpu.memory_space<hbm>> -> memref<1x56x768xf32, #tpu.memory_space<hbm>>
      %dma_start3A_73 = tpu.memref_squeeze %dma_start3A_72 : memref<1x56x768xf32, #tpu.memory_space<hbm>> -> memref<56x768xf32, #tpu.memory_space<hbm>>
      %dma_start3A_74 = arith.constant 0 : i32
      %dma_start3A_75 = arith.constant 0 : i32
      %dma_start3A_76 = tpu.memref_slice %arg6[%dma_start3A_74, %dma_start3A_75] : memref<56x768xf32, #tpu.memory_space<vmem>> -> memref<56x768xf32, #tpu.memory_space<vmem>>
      tpu.enqueue_dma source(%dma_start3A_76 : memref<56x768xf32, #tpu.memory_space<vmem>>) target(%dma_start3A_73 : memref<56x768xf32, #tpu.memory_space<hbm>>) target_semaphore(%run_scoped3A : memref<!tpu.dma_semaphore, #tpu.memory_space<semaphore_mem>>)
      %dma_wait3A_77 = arith.constant 0 : i32
      %dma_wait3A_78 = arith.constant 0 : i32
      %dma_wait3A_79 = tpu.memref_slice %arg6[%dma_wait3A_77, %dma_wait3A_78] : memref<56x768xf32, #tpu.memory_space<vmem>> -> memref<56x768xf32, #tpu.memory_space<vmem>>
      %dma_wait3A_80 = arith.constant 112 : i32
      %dma_wait3A_81 = arith.constant 0 : i32
      %dma_wait3A_82 = tpu.memref_slice %arg4[%add3A, %dma_wait3A_80, %dma_wait3A_81] : memref<32x224x768xf32, #tpu.memory_space<hbm>> -> memref<1x56x768xf32, #tpu.memory_space<hbm>>
      %dma_wait3A_83 = tpu.memref_squeeze %dma_wait3A_82 : memref<1x56x768xf32, #tpu.memory_space<hbm>> -> memref<56x768xf32, #tpu.memory_space<hbm>>
      %dma_wait3A_84 = arith.constant 112 : i32
      %dma_wait3A_85 = arith.constant 0 : i32
      %dma_wait3A_86 = tpu.memref_slice %arg4[%add3A, %dma_wait3A_84, %dma_wait3A_85] : memref<32x224x768xf32, #tpu.memory_space<hbm>> -> memref<1x56x768xf32, #tpu.memory_space<hbm>>
      %dma_wait3A_87 = tpu.memref_squeeze %dma_wait3A_86 : memref<1x56x768xf32, #tpu.memory_space<hbm>> -> memref<56x768xf32, #tpu.memory_space<hbm>>
      %dma_wait3A_88 = arith.constant 0 : i32
      %dma_wait3A_89 = arith.constant 0 : i32
      %dma_wait3A_90 = tpu.memref_slice %arg6[%dma_wait3A_88, %dma_wait3A_89] : memref<56x768xf32, #tpu.memory_space<vmem>> -> memref<56x768xf32, #tpu.memory_space<vmem>>
      tpu.wait_dma2 semaphore(%run_scoped3A : memref<!tpu.dma_semaphore, #tpu.memory_space<semaphore_mem>>) src(%dma_wait3A_90 : memref<56x768xf32, #tpu.memory_space<vmem>>) dst(%dma_wait3A_87 : memref<56x768xf32, #tpu.memory_space<hbm>>)
      tpu.yield
    }) : () -> ()
    %dma_start3A_47 = arith.constant 0 : i32
    %dma_start3A_48 = arith.constant 0 : i32
    %dma_start3A_49 = tpu.memref_slice %arg6[%dma_start3A_47, %dma_start3A_48] : memref<56x768xf32, #tpu.memory_space<vmem>> -> memref<32x768xf32, #tpu.memory_space<vmem>>
    %dma_start3A_50 = arith.constant 168 : i32
    %dma_start3A_51 = tpu.memref_slice %arg5[%dma_start3A_50] : memref<200xi32, #tpu.memory_space<vmem>> -> memref<32xi32, #tpu.memory_space<vmem>>
    %dma_start3A_52 = arith.constant 0 : i32
    %dma_start3A_53 = arith.constant 0 : i32
    %dma_start3A_54 = tpu.memref_slice %arg2[%dma_start3A_52, %dma_start3A_53] : memref<512x768xf32, #tpu.memory_space<hbm>> -> memref<512x768xf32, #tpu.memory_space<hbm>>
    tpu.enqueue_indirect_dma source(%dma_start3A_54 : memref<512x768xf32, #tpu.memory_space<hbm>>) target(%dma_start3A_49 : memref<32x768xf32, #tpu.memory_space<vmem>>) offsets(%dma_start3A_51 : memref<32xi32, #tpu.memory_space<vmem>>) semaphore(%arg7 : memref<!tpu.dma_semaphore, #tpu.memory_space<semaphore_mem>>)
    %dma_wait3A_55 = arith.constant 0 : i32
    %dma_wait3A_56 = arith.constant 0 : i32
    %dma_wait3A_57 = tpu.memref_slice %arg6[%dma_wait3A_55, %dma_wait3A_56] : memref<56x768xf32, #tpu.memory_space<vmem>> -> memref<32x768xf32, #tpu.memory_space<vmem>>
    %dma_wait3A_58 = arith.constant 168 : i32
    %dma_wait3A_59 = tpu.memref_slice %arg5[%dma_wait3A_58] : memref<200xi32, #tpu.memory_space<vmem>> -> memref<32xi32, #tpu.memory_space<vmem>>
    %dma_wait3A_60 = arith.constant 0 : i32
    %dma_wait3A_61 = arith.constant 0 : i32
    %dma_wait3A_62 = tpu.memref_slice %arg2[%dma_wait3A_60, %dma_wait3A_61] : memref<512x768xf32, #tpu.memory_space<hbm>> -> memref<512x768xf32, #tpu.memory_space<hbm>>
    tpu.wait_indirect_dma semaphore(%arg7 : memref<!tpu.dma_semaphore, #tpu.memory_space<semaphore_mem>>) src(%dma_wait3A_62 : memref<512x768xf32, #tpu.memory_space<hbm>>) dst(%dma_wait3A_57 : memref<32x768xf32, #tpu.memory_space<vmem>>)
    "tpu.region"() ({
      %run_scoped3A = tpu.sem_alloc : memref<!tpu.dma_semaphore, #tpu.memory_space<semaphore_mem>>
      %dma_start3A_63 = arith.constant 0 : i32
      %dma_start3A_64 = arith.constant 0 : i32
      %dma_start3A_65 = tpu.memref_slice %arg6[%dma_start3A_63, %dma_start3A_64] : memref<56x768xf32, #tpu.memory_space<vmem>> -> memref<32x768xf32, #tpu.memory_space<vmem>>
      %dma_start3A_66 = arith.constant 168 : i32
      %dma_start3A_67 = arith.constant 0 : i32
      %dma_start3A_68 = tpu.memref_slice %arg4[%add3A, %dma_start3A_66, %dma_start3A_67] : memref<32x224x768xf32, #tpu.memory_space<hbm>> -> memref<1x32x768xf32, #tpu.memory_space<hbm>>
      %dma_start3A_69 = tpu.memref_squeeze %dma_start3A_68 : memref<1x32x768xf32, #tpu.memory_space<hbm>> -> memref<32x768xf32, #tpu.memory_space<hbm>>
      %dma_start3A_70 = arith.constant 168 : i32
      %dma_start3A_71 = arith.constant 0 : i32
      %dma_start3A_72 = tpu.memref_slice %arg4[%add3A, %dma_start3A_70, %dma_start3A_71] : memref<32x224x768xf32, #tpu.memory_space<hbm>> -> memref<1x32x768xf32, #tpu.memory_space<hbm>>
      %dma_start3A_73 = tpu.memref_squeeze %dma_start3A_72 : memref<1x32x768xf32, #tpu.memory_space<hbm>> -> memref<32x768xf32, #tpu.memory_space<hbm>>
      %dma_start3A_74 = arith.constant 0 : i32
      %dma_start3A_75 = arith.constant 0 : i32
      %dma_start3A_76 = tpu.memref_slice %arg6[%dma_start3A_74, %dma_start3A_75] : memref<56x768xf32, #tpu.memory_space<vmem>> -> memref<32x768xf32, #tpu.memory_space<vmem>>
      tpu.enqueue_dma source(%dma_start3A_76 : memref<32x768xf32, #tpu.memory_space<vmem>>) target(%dma_start3A_73 : memref<32x768xf32, #tpu.memory_space<hbm>>) target_semaphore(%run_scoped3A : memref<!tpu.dma_semaphore, #tpu.memory_space<semaphore_mem>>)
      %dma_wait3A_77 = arith.constant 0 : i32
      %dma_wait3A_78 = arith.constant 0 : i32
      %dma_wait3A_79 = tpu.memref_slice %arg6[%dma_wait3A_77, %dma_wait3A_78] : memref<56x768xf32, #tpu.memory_space<vmem>> -> memref<32x768xf32, #tpu.memory_space<vmem>>
      %dma_wait3A_80 = arith.constant 168 : i32
      %dma_wait3A_81 = arith.constant 0 : i32
      %dma_wait3A_82 = tpu.memref_slice %arg4[%add3A, %dma_wait3A_80, %dma_wait3A_81] : memref<32x224x768xf32, #tpu.memory_space<hbm>> -> memref<1x32x768xf32, #tpu.memory_space<hbm>>
      %dma_wait3A_83 = tpu.memref_squeeze %dma_wait3A_82 : memref<1x32x768xf32, #tpu.memory_space<hbm>> -> memref<32x768xf32, #tpu.memory_space<hbm>>
      %dma_wait3A_84 = arith.constant 168 : i32
      %dma_wait3A_85 = arith.constant 0 : i32
      %dma_wait3A_86 = tpu.memref_slice %arg4[%add3A, %dma_wait3A_84, %dma_wait3A_85] : memref<32x224x768xf32, #tpu.memory_space<hbm>> -> memref<1x32x768xf32, #tpu.memory_space<hbm>>
      %dma_wait3A_87 = tpu.memref_squeeze %dma_wait3A_86 : memref<1x32x768xf32, #tpu.memory_space<hbm>> -> memref<32x768xf32, #tpu.memory_space<hbm>>
      %dma_wait3A_88 = arith.constant 0 : i32
      %dma_wait3A_89 = arith.constant 0 : i32
      %dma_wait3A_90 = tpu.memref_slice %arg6[%dma_wait3A_88, %dma_wait3A_89] : memref<56x768xf32, #tpu.memory_space<vmem>> -> memref<32x768xf32, #tpu.memory_space<vmem>>
      tpu.wait_dma2 semaphore(%run_scoped3A : memref<!tpu.dma_semaphore, #tpu.memory_space<semaphore_mem>>) src(%dma_wait3A_90 : memref<32x768xf32, #tpu.memory_space<vmem>>) dst(%dma_wait3A_87 : memref<32x768xf32, #tpu.memory_space<hbm>>)
      tpu.yield
    }) : () -> ()
    return
  }
}

#map = affine_map<(d0, d1) -> (0, 0)>
#map1 = affine_map<(d0, d1) -> (0, 0, 0)>
module attributes {stable_mosaic.version = 14 : i64} {
  func.func @gk(%arg0: i32, %arg1: i32, %arg2: memref<512x768xf32, #tpu.memory_space<hbm>>, %arg3: memref<32x200xi32, #tpu.memory_space<hbm>>, %arg4: memref<32x224x768xf32, #tpu.memory_space<hbm>>, %arg5: memref<200xi32, #tpu.memory_space<vmem>>, %arg6: memref<56x768xf32, #tpu.memory_space<vmem>>, %arg7: memref<!tpu.dma_semaphore, #tpu.memory_space<semaphore_mem>>) attributes {dimension_semantics = [#tpu.dimension_semantics<core_parallel>, #tpu.dimension_semantics<subcore_parallel>], iteration_bounds = array<i64: 2, 16>, scalar_prefetch = 0 : i64, scratch_operands = 3 : i64, tpu.core_type = #tpu.core_type<sc_vector_subcore>, window_params = [{transform_indices = #map}, {transform_indices = #map}, {transform_indices = #map1}]} {
    %mul3A = arith.constant 2 : i32
    %mul3A_0 = arith.muli %arg1, %mul3A : i32
    %add3A = arith.addi %mul3A_0, %arg0 : i32
    "tpu.region"() ({
      %run_scoped3A = tpu.sem_alloc : memref<!tpu.dma_semaphore, #tpu.memory_space<semaphore_mem>>
      %dma_start3A_63 = arith.constant 0 : i32
      %dma_start3A_64 = tpu.memref_slice %arg3[%add3A, %dma_start3A_63] : memref<32x200xi32, #tpu.memory_space<hbm>> -> memref<1x200xi32, #tpu.memory_space<hbm>>
      %dma_start3A_65 = tpu.memref_squeeze %dma_start3A_64 : memref<1x200xi32, #tpu.memory_space<hbm>> -> memref<200xi32, #tpu.memory_space<hbm>>
      %dma_start3A_66 = arith.constant 0 : i32
      %dma_start3A_67 = tpu.memref_slice %arg3[%add3A, %dma_start3A_66] : memref<32x200xi32, #tpu.memory_space<hbm>> -> memref<1x200xi32, #tpu.memory_space<hbm>>
      %dma_start3A_68 = tpu.memref_squeeze %dma_start3A_67 : memref<1x200xi32, #tpu.memory_space<hbm>> -> memref<200xi32, #tpu.memory_space<hbm>>
      tpu.enqueue_dma source(%dma_start3A_68 : memref<200xi32, #tpu.memory_space<hbm>>) target(%arg5 : memref<200xi32, #tpu.memory_space<vmem>>) target_semaphore(%run_scoped3A : memref<!tpu.dma_semaphore, #tpu.memory_space<semaphore_mem>>)
      %dma_wait3A_69 = arith.constant 0 : i32
      %dma_wait3A_70 = tpu.memref_slice %arg3[%add3A, %dma_wait3A_69] : memref<32x200xi32, #tpu.memory_space<hbm>> -> memref<1x200xi32, #tpu.memory_space<hbm>>
      %dma_wait3A_71 = tpu.memref_squeeze %dma_wait3A_70 : memref<1x200xi32, #tpu.memory_space<hbm>> -> memref<200xi32, #tpu.memory_space<hbm>>
      %dma_wait3A_72 = arith.constant 0 : i32
      %dma_wait3A_73 = tpu.memref_slice %arg3[%add3A, %dma_wait3A_72] : memref<32x200xi32, #tpu.memory_space<hbm>> -> memref<1x200xi32, #tpu.memory_space<hbm>>
      %dma_wait3A_74 = tpu.memref_squeeze %dma_wait3A_73 : memref<1x200xi32, #tpu.memory_space<hbm>> -> memref<200xi32, #tpu.memory_space<hbm>>
      tpu.wait_dma2 semaphore(%run_scoped3A : memref<!tpu.dma_semaphore, #tpu.memory_space<semaphore_mem>>) src(%dma_wait3A_74 : memref<200xi32, #tpu.memory_space<hbm>>) dst(%arg5 : memref<200xi32, #tpu.memory_space<vmem>>)
      tpu.yield
    }) : () -> ()
    %dma_start3A = arith.constant 0 : i32
    %dma_start3A_1 = arith.constant 0 : i32
    %dma_start3A_2 = tpu.memref_slice %arg6[%dma_start3A, %dma_start3A_1] : memref<56x768xf32, #tpu.memory_space<vmem>> -> memref<56x768xf32, #tpu.memory_space<vmem>>
    %dma_start3A_3 = arith.constant 0 : i32
    %dma_start3A_4 = tpu.memref_slice %arg5[%dma_start3A_3] : memref<200xi32, #tpu.memory_space<vmem>> -> memref<56xi32, #tpu.memory_space<vmem>>
    %dma_start3A_5 = arith.constant 0 : i32
    %dma_start3A_6 = arith.constant 0 : i32
    %dma_start3A_7 = tpu.memref_slice %arg2[%dma_start3A_5, %dma_start3A_6] : memref<512x768xf32, #tpu.memory_space<hbm>> -> memref<512x768xf32, #tpu.memory_space<hbm>>
    tpu.enqueue_indirect_dma source(%dma_start3A_7 : memref<512x768xf32, #tpu.memory_space<hbm>>) target(%dma_start3A_2 : memref<56x768xf32, #tpu.memory_space<vmem>>) offsets(%dma_start3A_4 : memref<56xi32, #tpu.memory_space<vmem>>) semaphore(%arg7 : memref<!tpu.dma_semaphore, #tpu.memory_space<semaphore_mem>>)
    %dma_wait3A = arith.constant 0 : i32
    %dma_wait3A_8 = arith.constant 0 : i32
    %dma_wait3A_9 = tpu.memref_slice %arg6[%dma_wait3A, %dma_wait3A_8] : memref<56x768xf32, #tpu.memory_space<vmem>> -> memref<56x768xf32, #tpu.memory_space<vmem>>
    %dma_wait3A_10 = arith.constant 0 : i32
    %dma_wait3A_11 = tpu.memref_slice %arg5[%dma_wait3A_10] : memref<200xi32, #tpu.memory_space<vmem>> -> memref<56xi32, #tpu.memory_space<vmem>>
    %dma_wait3A_12 = arith.constant 0 : i32
    %dma_wait3A_13 = arith.constant 0 : i32
    %dma_wait3A_14 = tpu.memref_slice %arg2[%dma_wait3A_12, %dma_wait3A_13] : memref<512x768xf32, #tpu.memory_space<hbm>> -> memref<512x768xf32, #tpu.memory_space<hbm>>
    tpu.wait_indirect_dma semaphore(%arg7 : memref<!tpu.dma_semaphore, #tpu.memory_space<semaphore_mem>>) src(%dma_wait3A_14 : memref<512x768xf32, #tpu.memory_space<hbm>>) dst(%dma_wait3A_9 : memref<56x768xf32, #tpu.memory_space<vmem>>)
    "tpu.region"() ({
      %run_scoped3A = tpu.sem_alloc : memref<!tpu.dma_semaphore, #tpu.memory_space<semaphore_mem>>
      %dma_start3A_63 = arith.constant 0 : i32
      %dma_start3A_64 = arith.constant 0 : i32
      %dma_start3A_65 = tpu.memref_slice %arg6[%dma_start3A_63, %dma_start3A_64] : memref<56x768xf32, #tpu.memory_space<vmem>> -> memref<56x768xf32, #tpu.memory_space<vmem>>
      %dma_start3A_66 = arith.constant 0 : i32
      %dma_start3A_67 = arith.constant 0 : i32
      %dma_start3A_68 = tpu.memref_slice %arg4[%add3A, %dma_start3A_66, %dma_start3A_67] : memref<32x224x768xf32, #tpu.memory_space<hbm>> -> memref<1x56x768xf32, #tpu.memory_space<hbm>>
      %dma_start3A_69 = tpu.memref_squeeze %dma_start3A_68 : memref<1x56x768xf32, #tpu.memory_space<hbm>> -> memref<56x768xf32, #tpu.memory_space<hbm>>
      %dma_start3A_70 = arith.constant 0 : i32
      %dma_start3A_71 = arith.constant 0 : i32
      %dma_start3A_72 = tpu.memref_slice %arg4[%add3A, %dma_start3A_70, %dma_start3A_71] : memref<32x224x768xf32, #tpu.memory_space<hbm>> -> memref<1x56x768xf32, #tpu.memory_space<hbm>>
      %dma_start3A_73 = tpu.memref_squeeze %dma_start3A_72 : memref<1x56x768xf32, #tpu.memory_space<hbm>> -> memref<56x768xf32, #tpu.memory_space<hbm>>
      %dma_start3A_74 = arith.constant 0 : i32
      %dma_start3A_75 = arith.constant 0 : i32
      %dma_start3A_76 = tpu.memref_slice %arg6[%dma_start3A_74, %dma_start3A_75] : memref<56x768xf32, #tpu.memory_space<vmem>> -> memref<56x768xf32, #tpu.memory_space<vmem>>
      tpu.enqueue_dma source(%dma_start3A_76 : memref<56x768xf32, #tpu.memory_space<vmem>>) target(%dma_start3A_73 : memref<56x768xf32, #tpu.memory_space<hbm>>) target_semaphore(%run_scoped3A : memref<!tpu.dma_semaphore, #tpu.memory_space<semaphore_mem>>)
      %dma_wait3A_77 = arith.constant 0 : i32
      %dma_wait3A_78 = arith.constant 0 : i32
      %dma_wait3A_79 = tpu.memref_slice %arg6[%dma_wait3A_77, %dma_wait3A_78] : memref<56x768xf32, #tpu.memory_space<vmem>> -> memref<56x768xf32, #tpu.memory_space<vmem>>
      %dma_wait3A_80 = arith.constant 0 : i32
      %dma_wait3A_81 = arith.constant 0 : i32
      %dma_wait3A_82 = tpu.memref_slice %arg4[%add3A, %dma_wait3A_80, %dma_wait3A_81] : memref<32x224x768xf32, #tpu.memory_space<hbm>> -> memref<1x56x768xf32, #tpu.memory_space<hbm>>
      %dma_wait3A_83 = tpu.memref_squeeze %dma_wait3A_82 : memref<1x56x768xf32, #tpu.memory_space<hbm>> -> memref<56x768xf32, #tpu.memory_space<hbm>>
      %dma_wait3A_84 = arith.constant 0 : i32
      %dma_wait3A_85 = arith.constant 0 : i32
      %dma_wait3A_86 = tpu.memref_slice %arg4[%add3A, %dma_wait3A_84, %dma_wait3A_85] : memref<32x224x768xf32, #tpu.memory_space<hbm>> -> memref<1x56x768xf32, #tpu.memory_space<hbm>>
      %dma_wait3A_87 = tpu.memref_squeeze %dma_wait3A_86 : memref<1x56x768xf32, #tpu.memory_space<hbm>> -> memref<56x768xf32, #tpu.memory_space<hbm>>
      %dma_wait3A_88 = arith.constant 0 : i32
      %dma_wait3A_89 = arith.constant 0 : i32
      %dma_wait3A_90 = tpu.memref_slice %arg6[%dma_wait3A_88, %dma_wait3A_89] : memref<56x768xf32, #tpu.memory_space<vmem>> -> memref<56x768xf32, #tpu.memory_space<vmem>>
      tpu.wait_dma2 semaphore(%run_scoped3A : memref<!tpu.dma_semaphore, #tpu.memory_space<semaphore_mem>>) src(%dma_wait3A_90 : memref<56x768xf32, #tpu.memory_space<vmem>>) dst(%dma_wait3A_87 : memref<56x768xf32, #tpu.memory_space<hbm>>)
      tpu.yield
    }) : () -> ()
    %dma_start3A_15 = arith.constant 0 : i32
    %dma_start3A_16 = arith.constant 0 : i32
    %dma_start3A_17 = tpu.memref_slice %arg6[%dma_start3A_15, %dma_start3A_16] : memref<56x768xf32, #tpu.memory_space<vmem>> -> memref<56x768xf32, #tpu.memory_space<vmem>>
    %dma_start3A_18 = arith.constant 56 : i32
    %dma_start3A_19 = tpu.memref_slice %arg5[%dma_start3A_18] : memref<200xi32, #tpu.memory_space<vmem>> -> memref<56xi32, #tpu.memory_space<vmem>>
    %dma_start3A_20 = arith.constant 0 : i32
    %dma_start3A_21 = arith.constant 0 : i32
    %dma_start3A_22 = tpu.memref_slice %arg2[%dma_start3A_20, %dma_start3A_21] : memref<512x768xf32, #tpu.memory_space<hbm>> -> memref<512x768xf32, #tpu.memory_space<hbm>>
    tpu.enqueue_indirect_dma source(%dma_start3A_22 : memref<512x768xf32, #tpu.memory_space<hbm>>) target(%dma_start3A_17 : memref<56x768xf32, #tpu.memory_space<vmem>>) offsets(%dma_start3A_19 : memref<56xi32, #tpu.memory_space<vmem>>) semaphore(%arg7 : memref<!tpu.dma_semaphore, #tpu.memory_space<semaphore_mem>>)
    %dma_wait3A_23 = arith.constant 0 : i32
    %dma_wait3A_24 = arith.constant 0 : i32
    %dma_wait3A_25 = tpu.memref_slice %arg6[%dma_wait3A_23, %dma_wait3A_24] : memref<56x768xf32, #tpu.memory_space<vmem>> -> memref<56x768xf32, #tpu.memory_space<vmem>>
    %dma_wait3A_26 = arith.constant 56 : i32
    %dma_wait3A_27 = tpu.memref_slice %arg5[%dma_wait3A_26] : memref<200xi32, #tpu.memory_space<vmem>> -> memref<56xi32, #tpu.memory_space<vmem>>
    %dma_wait3A_28 = arith.constant 0 : i32
    %dma_wait3A_29 = arith.constant 0 : i32
    %dma_wait3A_30 = tpu.memref_slice %arg2[%dma_wait3A_28, %dma_wait3A_29] : memref<512x768xf32, #tpu.memory_space<hbm>> -> memref<512x768xf32, #tpu.memory_space<hbm>>
    tpu.wait_indirect_dma semaphore(%arg7 : memref<!tpu.dma_semaphore, #tpu.memory_space<semaphore_mem>>) src(%dma_wait3A_30 : memref<512x768xf32, #tpu.memory_space<hbm>>) dst(%dma_wait3A_25 : memref<56x768xf32, #tpu.memory_space<vmem>>)
    "tpu.region"() ({
      %run_scoped3A = tpu.sem_alloc : memref<!tpu.dma_semaphore, #tpu.memory_space<semaphore_mem>>
      %dma_start3A_63 = arith.constant 0 : i32
      %dma_start3A_64 = arith.constant 0 : i32
      %dma_start3A_65 = tpu.memref_slice %arg6[%dma_start3A_63, %dma_start3A_64] : memref<56x768xf32, #tpu.memory_space<vmem>> -> memref<56x768xf32, #tpu.memory_space<vmem>>
      %dma_start3A_66 = arith.constant 56 : i32
      %dma_start3A_67 = arith.constant 0 : i32
      %dma_start3A_68 = tpu.memref_slice %arg4[%add3A, %dma_start3A_66, %dma_start3A_67] : memref<32x224x768xf32, #tpu.memory_space<hbm>> -> memref<1x56x768xf32, #tpu.memory_space<hbm>>
      %dma_start3A_69 = tpu.memref_squeeze %dma_start3A_68 : memref<1x56x768xf32, #tpu.memory_space<hbm>> -> memref<56x768xf32, #tpu.memory_space<hbm>>
      %dma_start3A_70 = arith.constant 56 : i32
      %dma_start3A_71 = arith.constant 0 : i32
      %dma_start3A_72 = tpu.memref_slice %arg4[%add3A, %dma_start3A_70, %dma_start3A_71] : memref<32x224x768xf32, #tpu.memory_space<hbm>> -> memref<1x56x768xf32, #tpu.memory_space<hbm>>
      %dma_start3A_73 = tpu.memref_squeeze %dma_start3A_72 : memref<1x56x768xf32, #tpu.memory_space<hbm>> -> memref<56x768xf32, #tpu.memory_space<hbm>>
      %dma_start3A_74 = arith.constant 0 : i32
      %dma_start3A_75 = arith.constant 0 : i32
      %dma_start3A_76 = tpu.memref_slice %arg6[%dma_start3A_74, %dma_start3A_75] : memref<56x768xf32, #tpu.memory_space<vmem>> -> memref<56x768xf32, #tpu.memory_space<vmem>>
      tpu.enqueue_dma source(%dma_start3A_76 : memref<56x768xf32, #tpu.memory_space<vmem>>) target(%dma_start3A_73 : memref<56x768xf32, #tpu.memory_space<hbm>>) target_semaphore(%run_scoped3A : memref<!tpu.dma_semaphore, #tpu.memory_space<semaphore_mem>>)
      %dma_wait3A_77 = arith.constant 0 : i32
      %dma_wait3A_78 = arith.constant 0 : i32
      %dma_wait3A_79 = tpu.memref_slice %arg6[%dma_wait3A_77, %dma_wait3A_78] : memref<56x768xf32, #tpu.memory_space<vmem>> -> memref<56x768xf32, #tpu.memory_space<vmem>>
      %dma_wait3A_80 = arith.constant 56 : i32
      %dma_wait3A_81 = arith.constant 0 : i32
      %dma_wait3A_82 = tpu.memref_slice %arg4[%add3A, %dma_wait3A_80, %dma_wait3A_81] : memref<32x224x768xf32, #tpu.memory_space<hbm>> -> memref<1x56x768xf32, #tpu.memory_space<hbm>>
      %dma_wait3A_83 = tpu.memref_squeeze %dma_wait3A_82 : memref<1x56x768xf32, #tpu.memory_space<hbm>> -> memref<56x768xf32, #tpu.memory_space<hbm>>
      %dma_wait3A_84 = arith.constant 56 : i32
      %dma_wait3A_85 = arith.constant 0 : i32
      %dma_wait3A_86 = tpu.memref_slice %arg4[%add3A, %dma_wait3A_84, %dma_wait3A_85] : memref<32x224x768xf32, #tpu.memory_space<hbm>> -> memref<1x56x768xf32, #tpu.memory_space<hbm>>
      %dma_wait3A_87 = tpu.memref_squeeze %dma_wait3A_86 : memref<1x56x768xf32, #tpu.memory_space<hbm>> -> memref<56x768xf32, #tpu.memory_space<hbm>>
      %dma_wait3A_88 = arith.constant 0 : i32
      %dma_wait3A_89 = arith.constant 0 : i32
      %dma_wait3A_90 = tpu.memref_slice %arg6[%dma_wait3A_88, %dma_wait3A_89] : memref<56x768xf32, #tpu.memory_space<vmem>> -> memref<56x768xf32, #tpu.memory_space<vmem>>
      tpu.wait_dma2 semaphore(%run_scoped3A : memref<!tpu.dma_semaphore, #tpu.memory_space<semaphore_mem>>) src(%dma_wait3A_90 : memref<56x768xf32, #tpu.memory_space<vmem>>) dst(%dma_wait3A_87 : memref<56x768xf32, #tpu.memory_space<hbm>>)
      tpu.yield
    }) : () -> ()
    %dma_start3A_31 = arith.constant 0 : i32
    %dma_start3A_32 = arith.constant 0 : i32
    %dma_start3A_33 = tpu.memref_slice %arg6[%dma_start3A_31, %dma_start3A_32] : memref<56x768xf32, #tpu.memory_space<vmem>> -> memref<56x768xf32, #tpu.memory_space<vmem>>
    %dma_start3A_34 = arith.constant 112 : i32
    %dma_start3A_35 = tpu.memref_slice %arg5[%dma_start3A_34] : memref<200xi32, #tpu.memory_space<vmem>> -> memref<56xi32, #tpu.memory_space<vmem>>
    %dma_start3A_36 = arith.constant 0 : i32
    %dma_start3A_37 = arith.constant 0 : i32
    %dma_start3A_38 = tpu.memref_slice %arg2[%dma_start3A_36, %dma_start3A_37] : memref<512x768xf32, #tpu.memory_space<hbm>> -> memref<512x768xf32, #tpu.memory_space<hbm>>
    tpu.enqueue_indirect_dma source(%dma_start3A_38 : memref<512x768xf32, #tpu.memory_space<hbm>>) target(%dma_start3A_33 : memref<56x768xf32, #tpu.memory_space<vmem>>) offsets(%dma_start3A_35 : memref<56xi32, #tpu.memory_space<vmem>>) semaphore(%arg7 : memref<!tpu.dma_semaphore, #tpu.memory_space<semaphore_mem>>)
    %dma_wait3A_39 = arith.constant 0 : i32
    %dma_wait3A_40 = arith.constant 0 : i32
    %dma_wait3A_41 = tpu.memref_slice %arg6[%dma_wait3A_39, %dma_wait3A_40] : memref<56x768xf32, #tpu.memory_space<vmem>> -> memref<56x768xf32, #tpu.memory_space<vmem>>
    %dma_wait3A_42 = arith.constant 112 : i32
    %dma_wait3A_43 = tpu.memref_slice %arg5[%dma_wait3A_42] : memref<200xi32, #tpu.memory_space<vmem>> -> memref<56xi32, #tpu.memory_space<vmem>>
    %dma_wait3A_44 = arith.constant 0 : i32
    %dma_wait3A_45 = arith.constant 0 : i32
    %dma_wait3A_46 = tpu.memref_slice %arg2[%dma_wait3A_44, %dma_wait3A_45] : memref<512x768xf32, #tpu.memory_space<hbm>> -> memref<512x768xf32, #tpu.memory_space<hbm>>
    tpu.wait_indirect_dma semaphore(%arg7 : memref<!tpu.dma_semaphore, #tpu.memory_space<semaphore_mem>>) src(%dma_wait3A_46 : memref<512x768xf32, #tpu.memory_space<hbm>>) dst(%dma_wait3A_41 : memref<56x768xf32, #tpu.memory_space<vmem>>)
    "tpu.region"() ({
      %run_scoped3A = tpu.sem_alloc : memref<!tpu.dma_semaphore, #tpu.memory_space<semaphore_mem>>
      %dma_start3A_63 = arith.constant 0 : i32
      %dma_start3A_64 = arith.constant 0 : i32
      %dma_start3A_65 = tpu.memref_slice %arg6[%dma_start3A_63, %dma_start3A_64] : memref<56x768xf32, #tpu.memory_space<vmem>> -> memref<56x768xf32, #tpu.memory_space<vmem>>
      %dma_start3A_66 = arith.constant 112 : i32
      %dma_start3A_67 = arith.constant 0 : i32
      %dma_start3A_68 = tpu.memref_slice %arg4[%add3A, %dma_start3A_66, %dma_start3A_67] : memref<32x224x768xf32, #tpu.memory_space<hbm>> -> memref<1x56x768xf32, #tpu.memory_space<hbm>>
      %dma_start3A_69 = tpu.memref_squeeze %dma_start3A_68 : memref<1x56x768xf32, #tpu.memory_space<hbm>> -> memref<56x768xf32, #tpu.memory_space<hbm>>
      %dma_start3A_70 = arith.constant 112 : i32
      %dma_start3A_71 = arith.constant 0 : i32
      %dma_start3A_72 = tpu.memref_slice %arg4[%add3A, %dma_start3A_70, %dma_start3A_71] : memref<32x224x768xf32, #tpu.memory_space<hbm>> -> memref<1x56x768xf32, #tpu.memory_space<hbm>>
      %dma_start3A_73 = tpu.memref_squeeze %dma_start3A_72 : memref<1x56x768xf32, #tpu.memory_space<hbm>> -> memref<56x768xf32, #tpu.memory_space<hbm>>
      %dma_start3A_74 = arith.constant 0 : i32
      %dma_start3A_75 = arith.constant 0 : i32
      %dma_start3A_76 = tpu.memref_slice %arg6[%dma_start3A_74, %dma_start3A_75] : memref<56x768xf32, #tpu.memory_space<vmem>> -> memref<56x768xf32, #tpu.memory_space<vmem>>
      tpu.enqueue_dma source(%dma_start3A_76 : memref<56x768xf32, #tpu.memory_space<vmem>>) target(%dma_start3A_73 : memref<56x768xf32, #tpu.memory_space<hbm>>) target_semaphore(%run_scoped3A : memref<!tpu.dma_semaphore, #tpu.memory_space<semaphore_mem>>)
      %dma_wait3A_77 = arith.constant 0 : i32
      %dma_wait3A_78 = arith.constant 0 : i32
      %dma_wait3A_79 = tpu.memref_slice %arg6[%dma_wait3A_77, %dma_wait3A_78] : memref<56x768xf32, #tpu.memory_space<vmem>> -> memref<56x768xf32, #tpu.memory_space<vmem>>
      %dma_wait3A_80 = arith.constant 112 : i32
      %dma_wait3A_81 = arith.constant 0 : i32
      %dma_wait3A_82 = tpu.memref_slice %arg4[%add3A, %dma_wait3A_80, %dma_wait3A_81] : memref<32x224x768xf32, #tpu.memory_space<hbm>> -> memref<1x56x768xf32, #tpu.memory_space<hbm>>
      %dma_wait3A_83 = tpu.memref_squeeze %dma_wait3A_82 : memref<1x56x768xf32, #tpu.memory_space<hbm>> -> memref<56x768xf32, #tpu.memory_space<hbm>>
      %dma_wait3A_84 = arith.constant 112 : i32
      %dma_wait3A_85 = arith.constant 0 : i32
      %dma_wait3A_86 = tpu.memref_slice %arg4[%add3A, %dma_wait3A_84, %dma_wait3A_85] : memref<32x224x768xf32, #tpu.memory_space<hbm>> -> memref<1x56x768xf32, #tpu.memory_space<hbm>>
      %dma_wait3A_87 = tpu.memref_squeeze %dma_wait3A_86 : memref<1x56x768xf32, #tpu.memory_space<hbm>> -> memref<56x768xf32, #tpu.memory_space<hbm>>
      %dma_wait3A_88 = arith.constant 0 : i32
      %dma_wait3A_89 = arith.constant 0 : i32
      %dma_wait3A_90 = tpu.memref_slice %arg6[%dma_wait3A_88, %dma_wait3A_89] : memref<56x768xf32, #tpu.memory_space<vmem>> -> memref<56x768xf32, #tpu.memory_space<vmem>>
      tpu.wait_dma2 semaphore(%run_scoped3A : memref<!tpu.dma_semaphore, #tpu.memory_space<semaphore_mem>>) src(%dma_wait3A_90 : memref<56x768xf32, #tpu.memory_space<vmem>>) dst(%dma_wait3A_87 : memref<56x768xf32, #tpu.memory_space<hbm>>)
      tpu.yield
    }) : () -> ()
    %dma_start3A_47 = arith.constant 0 : i32
    %dma_start3A_48 = arith.constant 0 : i32
    %dma_start3A_49 = tpu.memref_slice %arg6[%dma_start3A_47, %dma_start3A_48] : memref<56x768xf32, #tpu.memory_space<vmem>> -> memref<32x768xf32, #tpu.memory_space<vmem>>
    %dma_start3A_50 = arith.constant 168 : i32
    %dma_start3A_51 = tpu.memref_slice %arg5[%dma_start3A_50] : memref<200xi32, #tpu.memory_space<vmem>> -> memref<32xi32, #tpu.memory_space<vmem>>
    %dma_start3A_52 = arith.constant 0 : i32
    %dma_start3A_53 = arith.constant 0 : i32
    %dma_start3A_54 = tpu.memref_slice %arg2[%dma_start3A_52, %dma_start3A_53] : memref<512x768xf32, #tpu.memory_space<hbm>> -> memref<512x768xf32, #tpu.memory_space<hbm>>
    tpu.enqueue_indirect_dma source(%dma_start3A_54 : memref<512x768xf32, #tpu.memory_space<hbm>>) target(%dma_start3A_49 : memref<32x768xf32, #tpu.memory_space<vmem>>) offsets(%dma_start3A_51 : memref<32xi32, #tpu.memory_space<vmem>>) semaphore(%arg7 : memref<!tpu.dma_semaphore, #tpu.memory_space<semaphore_mem>>)
    %dma_wait3A_55 = arith.constant 0 : i32
    %dma_wait3A_56 = arith.constant 0 : i32
    %dma_wait3A_57 = tpu.memref_slice %arg6[%dma_wait3A_55, %dma_wait3A_56] : memref<56x768xf32, #tpu.memory_space<vmem>> -> memref<32x768xf32, #tpu.memory_space<vmem>>
    %dma_wait3A_58 = arith.constant 168 : i32
    %dma_wait3A_59 = tpu.memref_slice %arg5[%dma_wait3A_58] : memref<200xi32, #tpu.memory_space<vmem>> -> memref<32xi32, #tpu.memory_space<vmem>>
    %dma_wait3A_60 = arith.constant 0 : i32
    %dma_wait3A_61 = arith.constant 0 : i32
    %dma_wait3A_62 = tpu.memref_slice %arg2[%dma_wait3A_60, %dma_wait3A_61] : memref<512x768xf32, #tpu.memory_space<hbm>> -> memref<512x768xf32, #tpu.memory_space<hbm>>
    tpu.wait_indirect_dma semaphore(%arg7 : memref<!tpu.dma_semaphore, #tpu.memory_space<semaphore_mem>>) src(%dma_wait3A_62 : memref<512x768xf32, #tpu.memory_space<hbm>>) dst(%dma_wait3A_57 : memref<32x768xf32, #tpu.memory_space<vmem>>)
    "tpu.region"() ({
      %run_scoped3A = tpu.sem_alloc : memref<!tpu.dma_semaphore, #tpu.memory_space<semaphore_mem>>
      %dma_start3A_63 = arith.constant 0 : i32
      %dma_start3A_64 = arith.constant 0 : i32
      %dma_start3A_65 = tpu.memref_slice %arg6[%dma_start3A_63, %dma_start3A_64] : memref<56x768xf32, #tpu.memory_space<vmem>> -> memref<32x768xf32, #tpu.memory_space<vmem>>
      %dma_start3A_66 = arith.constant 168 : i32
      %dma_start3A_67 = arith.constant 0 : i32
      %dma_start3A_68 = tpu.memref_slice %arg4[%add3A, %dma_start3A_66, %dma_start3A_67] : memref<32x224x768xf32, #tpu.memory_space<hbm>> -> memref<1x32x768xf32, #tpu.memory_space<hbm>>
      %dma_start3A_69 = tpu.memref_squeeze %dma_start3A_68 : memref<1x32x768xf32, #tpu.memory_space<hbm>> -> memref<32x768xf32, #tpu.memory_space<hbm>>
      %dma_start3A_70 = arith.constant 168 : i32
      %dma_start3A_71 = arith.constant 0 : i32
      %dma_start3A_72 = tpu.memref_slice %arg4[%add3A, %dma_start3A_70, %dma_start3A_71] : memref<32x224x768xf32, #tpu.memory_space<hbm>> -> memref<1x32x768xf32, #tpu.memory_space<hbm>>
      %dma_start3A_73 = tpu.memref_squeeze %dma_start3A_72 : memref<1x32x768xf32, #tpu.memory_space<hbm>> -> memref<32x768xf32, #tpu.memory_space<hbm>>
      %dma_start3A_74 = arith.constant 0 : i32
      %dma_start3A_75 = arith.constant 0 : i32
      %dma_start3A_76 = tpu.memref_slice %arg6[%dma_start3A_74, %dma_start3A_75] : memref<56x768xf32, #tpu.memory_space<vmem>> -> memref<32x768xf32, #tpu.memory_space<vmem>>
      tpu.enqueue_dma source(%dma_start3A_76 : memref<32x768xf32, #tpu.memory_space<vmem>>) target(%dma_start3A_73 : memref<32x768xf32, #tpu.memory_space<hbm>>) target_semaphore(%run_scoped3A : memref<!tpu.dma_semaphore, #tpu.memory_space<semaphore_mem>>)
      %dma_wait3A_77 = arith.constant 0 : i32
      %dma_wait3A_78 = arith.constant 0 : i32
      %dma_wait3A_79 = tpu.memref_slice %arg6[%dma_wait3A_77, %dma_wait3A_78] : memref<56x768xf32, #tpu.memory_space<vmem>> -> memref<32x768xf32, #tpu.memory_space<vmem>>
      %dma_wait3A_80 = arith.constant 168 : i32
      %dma_wait3A_81 = arith.constant 0 : i32
      %dma_wait3A_82 = tpu.memref_slice %arg4[%add3A, %dma_wait3A_80, %dma_wait3A_81] : memref<32x224x768xf32, #tpu.memory_space<hbm>> -> memref<1x32x768xf32, #tpu.memory_space<hbm>>
      %dma_wait3A_83 = tpu.memref_squeeze %dma_wait3A_82 : memref<1x32x768xf32, #tpu.memory_space<hbm>> -> memref<32x768xf32, #tpu.memory_space<hbm>>
      %dma_wait3A_84 = arith.constant 168 : i32
      %dma_wait3A_85 = arith.constant 0 : i32
      %dma_wait3A_86 = tpu.memref_slice %arg4[%add3A, %dma_wait3A_84, %dma_wait3A_85] : memref<32x224x768xf32, #tpu.memory_space<hbm>> -> memref<1x32x768xf32, #tpu.memory_space<hbm>>
      %dma_wait3A_87 = tpu.memref_squeeze %dma_wait3A_86 : memref<1x32x768xf32, #tpu.memory_space<hbm>> -> memref<32x768xf32, #tpu.memory_space<hbm>>
      %dma_wait3A_88 = arith.constant 0 : i32
      %dma_wait3A_89 = arith.constant 0 : i32
      %dma_wait3A_90 = tpu.memref_slice %arg6[%dma_wait3A_88, %dma_wait3A_89] : memref<56x768xf32, #tpu.memory_space<vmem>> -> memref<32x768xf32, #tpu.memory_space<vmem>>
      tpu.wait_dma2 semaphore(%run_scoped3A : memref<!tpu.dma_semaphore, #tpu.memory_space<semaphore_mem>>) src(%dma_wait3A_90 : memref<32x768xf32, #tpu.memory_space<vmem>>) dst(%dma_wait3A_87 : memref<32x768xf32, #tpu.memory_space<hbm>>)
      tpu.yield
    }) : () -> ()
    return
  }
}

module attributes {stable_mosaic.version = 14 : i64} {
  func.func @_vq_block(%arg0: i32, %arg1: memref<2x3x224x224xf32, #tpu.memory_space<vmem>>, %arg2: memref<768x768xf32, #tpu.memory_space<vmem>>, %arg3: memref<1x768xf32, #tpu.memory_space<vmem>>, %arg4: memref<392x1xf32, #tpu.memory_space<vmem>>, %arg5: memref<512x768xf32, #tpu.memory_space<vmem>>, %arg6: memref<1x512xf32, #tpu.memory_space<vmem>>, %arg7: memref<392x1xi32, #tpu.memory_space<vmem>>, %arg8: memref<392x1xf32, #tpu.memory_space<vmem>>) attributes {dimension_semantics = [#tpu.dimension_semantics<arbitrary>], iteration_bounds = array<i64: 16>, scalar_prefetch = 0 : i64, scratch_operands = 0 : i64, tpu.core_type = #tpu.core_type<tc>, window_params = [{transform_indices = @transform_0, window_bounds = array<i64: 2, 3, 224, 224>}, {pipeline_mode = #tpu.pipeline_mode<synchronous>, transform_indices = @transform_1, window_bounds = array<i64: 768, 768>}, {pipeline_mode = #tpu.pipeline_mode<synchronous>, transform_indices = @transform_2, window_bounds = array<i64: 1, 768>}, {transform_indices = @transform_3, window_bounds = array<i64: 392, 1>}, {pipeline_mode = #tpu.pipeline_mode<synchronous>, transform_indices = @transform_4, window_bounds = array<i64: 512, 768>}, {pipeline_mode = #tpu.pipeline_mode<synchronous>, transform_indices = @transform_5, window_bounds = array<i64: 1, 512>}, {transform_indices = @transform_6, window_bounds = array<i64: 392, 1>}, {transform_indices = @transform_7, window_bounds = array<i64: 392, 1>}]} {
    %get3A = arith.constant 0 : index
    %get3A_0 = arith.constant 0 : index
    %get3A_1 = arith.constant 0 : index
    %get3A_2 = arith.constant 0 : index
    %get3A_3 = vector.load %arg1[%get3A, %get3A_0, %get3A_1, %get3A_2] : memref<2x3x224x224xf32, #tpu.memory_space<vmem>>, vector<2x3x224x224xf32>
    %reshape3A = vector.shape_cast %get3A_3 : vector<2x3x224x224xf32> to vector<2x3x14x16x14x16xf32>
    %transpose3A = tpu.transpose %reshape3A, [0, 2, 4, 1, 3, 5] : vector<2x3x14x16x14x16xf32> -> vector<2x14x14x3x16x16xf32>
    %reshape3A_4 = vector.shape_cast %transpose3A : vector<2x14x14x3x16x16xf32> to vector<392x768xf32>
    %get3A_5 = arith.constant 0 : index
    %get3A_6 = arith.constant 0 : index
    %get3A_7 = vector.load %arg2[%get3A_5, %get3A_6] : memref<768x768xf32, #tpu.memory_space<vmem>>, vector<768x768xf32>
    %dot_general3A = arith.constant dense<0.000000e+00> : vector<392x768xf32>
    %dot_general3A_8 = tpu.matmul %reshape3A_4, %get3A_7, %dot_general3A {dimension_numbers = #tpu.dot_dimension_numbers<[1], [1], [0], [0], [0, 0, 1, 0], [], []>, transpose_lhs_hint = false} : vector<392x768xf32>, vector<768x768xf32>, vector<392x768xf32> -> vector<392x768xf32>
    %get3A_9 = arith.constant 0 : index
    %get3A_10 = arith.constant 0 : index
    %get3A_11 = vector.load %arg3[%get3A_9, %get3A_10] : memref<1x768xf32, #tpu.memory_space<vmem>>, vector<1x768xf32>
    %add3A = vector.broadcast %get3A_11 : vector<1x768xf32> to vector<392x768xf32>
    %add3A_12 = arith.addf %dot_general3A_8, %add3A : vector<392x768xf32>
    %get3A_13 = arith.constant 0 : index
    %get3A_14 = arith.constant 0 : index
    %get3A_15 = vector.load %arg4[%get3A_13, %get3A_14] : memref<392x1xf32, #tpu.memory_space<vmem>>, vector<392x1xf32>
    %ne3A = arith.constant 0.000000e+00 : f32
    %ne3A_16 = vector.broadcast %ne3A : f32 to vector<392x1xf32>
    %ne3A_17 = arith.cmpf one, %get3A_15, %ne3A_16 : vector<392x1xf32>
    %jit3A = arith.constant 0.000000e+00 : f32
    %broadcast_in_dim3A = vector.shape_cast %ne3A_17 : vector<392x1xi1> to vector<392x1xi1>
    %broadcast_in_dim3A_18 = vector.broadcast %broadcast_in_dim3A : vector<392x1xi1> to vector<392x768xi1>
    %broadcast_in_dim3A_19 = vector.broadcast %jit3A : f32 to vector<392x768xf32>
    %select_n3A = arith.select %broadcast_in_dim3A_18, %broadcast_in_dim3A_19, %add3A_12 : vector<392x768xi1>, vector<392x768xf32>
    %get3A_20 = arith.constant 0 : index
    %get3A_21 = arith.constant 0 : index
    %get3A_22 = vector.load %arg5[%get3A_20, %get3A_21] : memref<512x768xf32, #tpu.memory_space<vmem>>, vector<512x768xf32>
    %dot_general3A_23 = arith.constant dense<0.000000e+00> : vector<392x512xf32>
    %dot_general3A_24 = tpu.matmul %select_n3A, %get3A_22, %dot_general3A_23 {dimension_numbers = #tpu.dot_dimension_numbers<[1], [1], [0], [0], [0, 0, 1, 0], [], []>, transpose_lhs_hint = false} : vector<392x768xf32>, vector<512x768xf32>, vector<392x512xf32> -> vector<392x512xf32>
    %mul3A = arith.mulf %select_n3A, %select_n3A : vector<392x768xf32>
    %reduce_sum3A = arith.constant dense<0.000000e+00> : vector<392xf32>
    %reduce_sum3A_25 = vector.multi_reduction <add>, %mul3A, %reduce_sum3A [1] : vector<392x768xf32> to vector<392xf32>
    %broadcast_in_dim3A_26 = vector.shape_cast %reduce_sum3A_25 : vector<392xf32> to vector<392x1xf32>
    %get3A_27 = arith.constant 0 : index
    %get3A_28 = arith.constant 0 : index
    %get3A_29 = vector.load %arg6[%get3A_27, %get3A_28] : memref<1x512xf32, #tpu.memory_space<vmem>>, vector<1x512xf32>
    %add3A_30 = vector.broadcast %broadcast_in_dim3A_26 : vector<392x1xf32> to vector<392x512xf32>
    %add3A_31 = vector.broadcast %get3A_29 : vector<1x512xf32> to vector<392x512xf32>
    %add3A_32 = arith.addf %add3A_30, %add3A_31 : vector<392x512xf32>
    %mul3A_33 = arith.constant 2.000000e+00 : f32
    %mul3A_34 = vector.broadcast %mul3A_33 : f32 to vector<392x512xf32>
    %mul3A_35 = arith.mulf %mul3A_34, %dot_general3A_24 : vector<392x512xf32>
    %sub3A = arith.subf %add3A_32, %mul3A_35 : vector<392x512xf32>
    %reduce_min3A = arith.constant dense<0x7F800000> : vector<392xf32>
    %reduce_min3A_36 = vector.multi_reduction <minimumf>, %sub3A, %reduce_min3A [1] : vector<392x512xf32> to vector<392xf32>
    %broadcast_in_dim3A_37 = vector.shape_cast %reduce_min3A_36 : vector<392xf32> to vector<392x1xf32>
    %iota3A = tpu.iota {dimensions = array<i32: 1>} : vector<392x512xi32>
    %eq3A = vector.broadcast %broadcast_in_dim3A_37 : vector<392x1xf32> to vector<392x512xf32>
    %eq3A_38 = arith.cmpf oeq, %sub3A, %eq3A : vector<392x512xf32>
    %jit3A_39 = arith.constant 512 : i32
    %broadcast_in_dim3A_40 = vector.broadcast %jit3A_39 : i32 to vector<392x512xi32>
    %select_n3A_41 = arith.select %eq3A_38, %iota3A, %broadcast_in_dim3A_40 : vector<392x512xi1>, vector<392x512xi32>
    %reduce_min3A_42 = arith.constant dense<2147483647> : vector<392xi32>
    %reduce_min3A_43 = vector.multi_reduction <minsi>, %select_n3A_41, %reduce_min3A_42 [1] : vector<392x512xi32> to vector<392xi32>
    %reshape3A_44 = vector.shape_cast %reduce_min3A_43 : vector<392xi32> to vector<392x1xi32>
    %swap3A = arith.constant 0 : index
    %swap3A_45 = arith.constant 0 : index
    %swap3A_46 = vector.load %arg7[%swap3A, %swap3A_45] : memref<392x1xi32, #tpu.memory_space<vmem>>, vector<392x1xi32>
    tpu.vector_store %arg7[%swap3A, %swap3A_45], %reshape3A_44 {strides = array<i32>} : memref<392x1xi32, #tpu.memory_space<vmem>>, vector<392x1xi32>,
    %swap3A_47 = arith.constant 0 : index
    %swap3A_48 = arith.constant 0 : index
    %swap3A_49 = vector.load %arg8[%swap3A_47, %swap3A_48] : memref<392x1xf32, #tpu.memory_space<vmem>>, vector<392x1xf32>
    tpu.vector_store %arg8[%swap3A_47, %swap3A_48], %broadcast_in_dim3A_37 {strides = array<i32>} : memref<392x1xf32, #tpu.memory_space<vmem>>, vector<392x1xf32>,
    return
  }
  func.func @transform_0(%arg0: i32) -> (i32, i32, i32, i32) {
    %c0_i32 = arith.constant 0 : i32
    %c0_i32_0 = arith.constant 0 : i32
    %c0_i32_1 = arith.constant 0 : i32
    %c0_i32_2 = arith.constant 0 : i32
    return %arg0, %c0_i32, %c0_i32_0, %c0_i32_1 : i32, i32, i32, i32
  }
  func.func @transform_1(%arg0: i32) -> (i32, i32) {
    %c0_i32 = arith.constant 0 : i32
    %c0_i32_0 = arith.constant 0 : i32
    %c0_i32_1 = arith.constant 0 : i32
    return %c0_i32, %c0_i32_0 : i32, i32
  }
  func.func @transform_2(%arg0: i32) -> (i32, i32) {
    %c0_i32 = arith.constant 0 : i32
    %c0_i32_0 = arith.constant 0 : i32
    %c0_i32_1 = arith.constant 0 : i32
    return %c0_i32, %c0_i32_0 : i32, i32
  }
  func.func @transform_3(%arg0: i32) -> (i32, i32) {
    %c0_i32 = arith.constant 0 : i32
    %c0_i32_0 = arith.constant 0 : i32
    return %arg0, %c0_i32 : i32, i32
  }
  func.func @transform_4(%arg0: i32) -> (i32, i32) {
    %c0_i32 = arith.constant 0 : i32
    %c0_i32_0 = arith.constant 0 : i32
    %c0_i32_1 = arith.constant 0 : i32
    return %c0_i32, %c0_i32_0 : i32, i32
  }
  func.func @transform_5(%arg0: i32) -> (i32, i32) {
    %c0_i32 = arith.constant 0 : i32
    %c0_i32_0 = arith.constant 0 : i32
    %c0_i32_1 = arith.constant 0 : i32
    return %c0_i32, %c0_i32_0 : i32, i32
  }
  func.func @transform_6(%arg0: i32) -> (i32, i32) {
    %c0_i32 = arith.constant 0 : i32
    %c0_i32_0 = arith.constant 0 : i32
    return %arg0, %c0_i32 : i32, i32
  }
  func.func @transform_7(%arg0: i32) -> (i32, i32) {
    %c0_i32 = arith.constant 0 : i32
    %c0_i32_0 = arith.constant 0 : i32
    return %arg0, %c0_i32 : i32, i32
  }
}

module attributes {stable_mosaic.version = 14 : i64} {
  func.func @_dec_cb_block(%arg0: memref<512x768xf32, #tpu.memory_space<vmem>>, %arg1: memref<768x768xf32, #tpu.memory_space<vmem>>, %arg2: memref<1x768xf32, #tpu.memory_space<vmem>>, %arg3: memref<512x768xf32, #tpu.memory_space<vmem>>) attributes {dimension_semantics = [], scalar_prefetch = 0 : i64, scratch_operands = 0 : i64, tpu.core_type = #tpu.core_type<tc>} {
    %get3A = arith.constant 0 : index
    %get3A_0 = arith.constant 0 : index
    %get3A_1 = vector.load %arg0[%get3A, %get3A_0] : memref<512x768xf32, #tpu.memory_space<vmem>>, vector<512x768xf32>
    %get3A_2 = arith.constant 0 : index
    %get3A_3 = arith.constant 0 : index
    %get3A_4 = vector.load %arg1[%get3A_2, %get3A_3] : memref<768x768xf32, #tpu.memory_space<vmem>>, vector<768x768xf32>
    %dot_general3A = arith.constant dense<0.000000e+00> : vector<512x768xf32>
    %dot_general3A_5 = tpu.matmul %get3A_1, %get3A_4, %dot_general3A {dimension_numbers = #tpu.dot_dimension_numbers<[1], [1], [0], [0], [0, 0, 1, 0], [], []>, transpose_lhs_hint = false} : vector<512x768xf32>, vector<768x768xf32>, vector<512x768xf32> -> vector<512x768xf32>
    %get3A_6 = arith.constant 0 : index
    %get3A_7 = arith.constant 0 : index
    %get3A_8 = vector.load %arg2[%get3A_6, %get3A_7] : memref<1x768xf32, #tpu.memory_space<vmem>>, vector<1x768xf32>
    %add3A = vector.broadcast %get3A_8 : vector<1x768xf32> to vector<512x768xf32>
    %add3A_9 = arith.addf %dot_general3A_5, %add3A : vector<512x768xf32>
    %swap3A = arith.constant 0 : index
    %swap3A_10 = arith.constant 0 : index
    %swap3A_11 = vector.load %arg3[%swap3A, %swap3A_10] : memref<512x768xf32, #tpu.memory_space<vmem>>, vector<512x768xf32>
    tpu.vector_store %arg3[%swap3A, %swap3A_10], %add3A_9 {strides = array<i32>} : memref<512x768xf32, #tpu.memory_space<vmem>>, vector<512x768xf32>,
    return
  }
}

</mosaic_0001>

<sc_bundles>
// kernel: kernel.10.cloned.1.call-start
scs
__scs_entry_jumppad:
0x0: {  	(pc) =	sbr.rel $0x88, $3  }
0x1: {  	(tag) =	ssettag $0x0;
	lr =	simm.s32 $0x1  }
0x2: {  	[smem:$0x3F9B] =	sst lr;
	_ =	strace $0xD0000000  }
0x3: {  	_ = 	snop  }
0x4: {  	_ = 	snop  }
0x5: {  	_ = 	snop  }
0x6: {  	_ = 	snop  }
0x7: {  	_ = 	snop  }
__scs_overlays_trampoline_lowered:
0x8: {  	[smem:$0x3FAA] =	sst s0  }
0x9: {  	[smem:$0x3FAB] =	sst s1  }
0xa: {  	[smem:$0x3FAC] =	sst s2  }
0xb: {  	[smem:$0x3FAD] =	sst s3  }
0xc: {  	[smem:$0x3FAE] =	sst s4  }
0xd: {  	[smem:$0x3FAF] =	sst s5  }
0xe: {  	[smem:$0x3FB0] =	sst s6  }
0xf: {  	[smem:$0x3FB1] =	sst s7  }
0x10: {  	[smem:$0x3FB2] =	sst s8  }
0x11: {  	[smem:$0x3FB3] =	sst s9;
	s0 =	simm.s32 @!p0 $0x0  }
0x12: {  	s1 =	sld [smem:$0x3F99];
	s0 =	simm.s32 @p0 $0x1  }
0x13: {  	[smem:$0x3FB4] =	sst s0;
	s0 =	simm.s32 @!p1 $0x0  }
0x14: {  	s2 =	sld [smem:$0x3F98];
	s0 =	simm.s32 @p1 $0x1  }
0x15: {  	[smem:$0x3FB5] =	sst s0;
	s0 =	simm.s32 @!p2 $0x0  }
0x16: {  	s3 =	sld [smem:$0x3FDB];
	s0 =	simm.s32 @p2 $0x1  }
0x17: {  	s4 =	simm.s32 $0x1BF5;
	[smem:$0x3FB7] =	sst s0  }
0x18: {  	s0 =	sld [smem:$0x3F9A];
	_ =	swait.ge [sflag:s4], $0x0  }
0x19: {  	s7 =	sld [smem:$0x3F9B]  }
0x1a: {  	s8 =	sadd.s32 $0xFFFFE003, lr  }
0x1b: {  	s9 =	sadd.s32 $0xFFFFFEF7, lr;
	s5 =	simm.s32 $0xFFFFFFFF;
	p2 =	slt.u32 s8, $0xFFFFF086  }
0x1c: {  	p1 =	slt.u32 s9, $0xF7A;
	s5 =	simm.s32 @!p2 $0x0  }
0x1d: {  	s5 =	simm.s32 @p1 $0x1;
	p0 =	seq.s32 s7, s2  }
0x1e: {  	s7 =	smul.u32 @!p0 $0xF7A, s2;
	p2 =	seq.s32 @!p0 s5, $0x0  }
0x1f: {  	s9 =	smul.u32 $0xF7A, s1;
	s8 =	simm.s32 @!p0 $0x1BF5;
	p2 =	por !p2, p0  }
0x20: {  	[sflag:s8] =	ssyncset.s32 @!p0 $0xFFFFF086;
	s6 =	sadd.s32 @!p0 s3, s7;
	s7 =	simm.s32 @!p0 $0x108  }
0x21: {  	s3 =	sadd.s32 s3, s9;
	s6 =	sadd.s32 @!p0 $0x88, s6;
	s7 =	simm.s32 @p2 $0x1082  }
0x22: {  	[simem:s7], [sflag:s8] =	dma.local @!p0 [hbm:s6], $0xF7A  }
0x23: {  	s9 =	sor.u32 $0xD0000000, s2;
	s6 =	simm.s32 $0x108;
	_ =	swait.ge @!p0 [sflag:s8], $0x0  }
0x24: {  	s3 =	sadd.s32 $0x88, s3;
	s6 =	simm.s32 @!p1 $0x1082;
	[sflag:s4] =	ssyncset.s32 $0xFFFFF086  }
0x25: {  	[simem:s6], [sflag:s4] =	dma.local [hbm:s3], $0xF7A  }
0x26: {  	[smem:$0x3F9B] =	sst s1;
	(tag) =	ssettag s2;
	_ =	strace s9  }
0x27: {  	s1 =	sld [smem:$0x3FAB]  }
0x28: {  	s2 =	sld [smem:$0x3FAC]  }
0x29: {  	s4 =	sld [smem:$0x3FAE]  }
0x2a: {  	p0 =	seq.s32 s5, $0x0;
	s5 =	sld [smem:$0x3FAF]  }
0x2b: {  	s6 =	sld [smem:$0x3FB0]  }
0x2c: {  	s7 =	sld [smem:$0x3FB1]  }
0x2d: {  	s3 =	simm.s32 $0x108;
	s8 =	sld [smem:$0x3FB2]  }
0x2e: {  	s3 =	simm.s32 @!p0 $0x1082;
	s9 =	sld [smem:$0x3FB3]  }
0x2f: {  	lr =	sadd.s32 s0, s3;
	s0 =	sld [smem:$0x3FAA]  }
0x30: {  	s3 =	sld [smem:$0x3FAD]  }
0x31: {  	[smem:$0x3FB6] =	sst s10  }
0x32: {  	s10 =	sld [smem:$0x3FB4];
	_ =	sdelay $0x3  }
0x33: {  	p0 =	seq.s32 s10, $0x1;
	s10 =	sld [smem:$0x3FB6];
	_ =	sdelay $0x3  }
0x34: {  	[smem:$0x3FB6] =	sst s10  }
0x35: {  	s10 =	sld [smem:$0x3FB5];
	_ =	sdelay $0x3  }
0x36: {  	p1 =	seq.s32 s10, $0x1;
	s10 =	sld [smem:$0x3FB6];
	_ =	sdelay $0x3  }
0x37: {  	[smem:$0x3FB6] =	sst s10  }
0x38: {  	s10 =	sld [smem:$0x3FB7]  }
0x39: {  	_ = 	snop;
	(pc) =	sbr.ind lr, $3  }
0x3a: {  	_ = 	snop  }
0x3b: {  	_ = 	snop  }
0x3c: {  	p2 =	seq.s32 s10, $0x1;
	s10 =	sld [smem:$0x3FB6]  }
0x3d: {  	_ =	shalt  }
0x3e: {  	_ =	shalt  }
0x3f: {  	_ =	shalt  }
0x40: {  	_ =	shalt  }
0x41: {  	_ =	shalt  }
0x42: {  	_ =	shalt  }
0x43: {  	_ =	shalt  }
0x44: {  	_ =	shalt  }
0x45: {  	_ =	shalt  }
0x46: {  	_ =	shalt  }
0x47: {  	_ =	shalt  }
0x48: {  	_ =	shalt  }
0x49: {  	_ =	shalt  }
0x4a: {  	_ =	shalt  }
0x4b: {  	_ =	shalt  }
0x4c: {  	_ =	shalt  }
0x4d: {  	_ =	shalt  }
0x4e: {  	_ =	shalt  }
0x4f: {  	_ =	shalt  }
0x50: {  	_ =	shalt  }
0x51: {  	_ =	shalt  }
0x52: {  	_ =	shalt  }
0x53: {  	_ =	shalt  }
0x54: {  	_ =	shalt  }
0x55: {  	_ =	shalt  }
0x56: {  	_ =	shalt  }
0x57: {  	_ =	shalt  }
0x58: {  	_ =	shalt  }
0x59: {  	_ =	shalt  }
0x5a: {  	_ =	shalt  }
0x5b: {  	_ =	shalt  }
0x5c: {  	_ =	shalt  }
0x5d: {  	_ =	shalt  }
0x5e: {  	_ =	shalt  }
0x5f: {  	_ =	shalt  }
0x60: {  	_ =	shalt  }
0x61: {  	_ =	shalt  }
0x62: {  	_ =	shalt  }
0x63: {  	_ =	shalt  }
0x64: {  	_ =	shalt  }
0x65: {  	_ =	shalt  }
0x66: {  	_ =	shalt  }
0x67: {  	_ =	shalt  }
0x68: {  	_ =	shalt  }
0x69: {  	_ =	shalt  }
0x6a: {  	_ =	shalt  }
0x6b: {  	_ =	shalt  }
0x6c: {  	_ =	shalt  }
0x6d: {  	_ =	shalt  }
0x6e: {  	_ =	shalt  }
0x6f: {  	_ =	shalt  }
0x70: {  	_ =	shalt  }
0x71: {  	_ =	shalt  }
0x72: {  	_ =	shalt  }
0x73: {  	_ =	shalt  }
0x74: {  	_ =	shalt  }
0x75: {  	_ =	shalt  }
0x76: {  	_ =	shalt  }
0x77: {  	_ =	shalt  }
0x78: {  	_ =	shalt  }
0x79: {  	_ =	shalt  }
0x7a: {  	_ =	shalt  }
0x7b: {  	_ =	shalt  }
0x7c: {  	_ =	shalt  }
0x7d: {  	_ =	shalt  }
0x7e: {  	_ =	shalt  }
0x7f: {  	_ =	shalt  }
0x80: {  	_ =	shalt  }
0x81: {  	_ =	shalt  }
0x82: {  	_ =	shalt  }
0x83: {  	_ =	shalt  }
0x84: {  	_ =	shalt  }
0x85: {  	_ =	shalt  }
0x86: {  	_ =	shalt  }
0x87: {  	_ =	shalt  }
.Lfunc_end0:
.L_simem_size_0:
called_computation.2_lowered:
.L_overlay_start_0:
0x88: {  	s2 =	sld [smem:$0x3FD9]  }
0x89: {  	s3 =	sld [smem:$0x3FFE];
	_ =	sdelay $0x1  }
0x8a: {  	s1 =	srdreg.scid  }
0x8b: {  	s0 =	sand.u32 $0x1, s1  }
0x8c: {  	s15 =	sshll.u32 s0, $0xA;
	s2 =	sadd.s32 s3, s2  }
0x8d: {  	s2 =	sadd.s32 s2, s15  }
0x8e: {  	[smem:$0x3FC2] =	sst s2  }
0x8f: {  	_ = 	snop  }
0x90: {  	s2 =	sld [smem:$0x3FD0];
	_ =	sdelay $0x2  }
0x91: {  	s16 =	simm.s32 $0xB;
	s4 =	simm.s32 $0x10  }
0x92: {  	[smem:s4], [sflag:s16] =	dma.local [hbm:s2], $0x1  }
0x93: {  	_ =	swait.eq [sflag:s16], $0x1  }
0x94: {  	[sflag:s16] =	ssyncset.done $0x0  }
0x95: {  	[sflag:s16] =	ssyncadd.s32 $0xFFFFFFFF  }
0x96: {  	s17 =	sld [smem:$0x10];
	(tm) =	ssettm $0x1  }
0x97: {  	s18 =	sld [smem:$0x3FFB];
	_ =	sdelay $0x3  }
0x98: {  	_ =	strace s18  }
0x99: {  	s2 =	sld [smem:$0x3FFC];
	_ =	sdelay $0x3  }
0x9a: {  	_ =	strace s2  }
0x9b: {  	s2 =	sld [smem:$0x3FFD];
	_ =	sdelay $0x3  }
0x9c: {  	_ =	strace s2  }
0x9d: {  	_ =	strace $0x8FFFFFFF  }
0x9e: {  	s19 =	sld [smem:$0x3FDB];
	_ =	sdelay $0x1  }
0x9f: {  	s20 =	simm.s32 $_scs_section_size  }
0xa0: {  	s5 =	simm.s32 $_size__tile_overlayer_lowered;
	s6 =	simm.s32 $_tile_overlayer_lowered  }
0xa1: {  	s7 =	simm.s32 $0x1BFF;
	s21 =	sshll.u32 s6, $0x1;
	s4 =	sadd.s32 s20, s19  }
0xa2: {  	s22 =	simm.s32 $0x0;
	s5 =	sshll.u32 s5, $0x1;
	s6 =	sadd.s32 s21, s4  }
0xa3: {  	[timem:s22], [sflag:s7] =	dma.local [hbm:s6], s5  }
0xa4: {  	_ =	swait.ge [sflag:s7], s5  }
0xa5: {  	s5 =	ssub.s32 $0x0, s5;
	[sflag:s7] =	ssyncset.done $0x0  }
0xa6: {  	[sflag:s7] =	ssyncadd.s32 s5;
	_ =	sdelay $0x1  }
0xa7: {  	s23 =	simm.s32 $0x1B8B  }
0xa8: {  	_ =	swait.ge [sflag:s23], $0x1  }
0xa9: {  	[sflag:s23] =	ssyncset.done $0x0  }
0xaa: {  	[sflag:s23] =	ssyncadd.s32 $0xFFFFFFFF  }
0xab: {  	s5 =	sld [smem:$0x0]  }
0xac: {  	s6 =	sand.u32 $0xFFFFFFFE, s1  }
0xad: {  	p0 =	sne.s32 s1, s6  }
0xae: {  	s6 =	sshll.u32 @p0 s6, $0xE  }
0xaf: {  	s6 =	sadd.s32 @p0 $0x11B8D, s6;
	s7 =	sshll.u32 @p0 s5, $0x11  }
0xb0: {  	s6 =	sor.u32 @p0 s7, s6  }
0xb1: {  	[sflag:s6] =	ssyncadd.remote.s32 @p0 $0x1;
	_ =	sdelay $0x1  }
0xb2: {  	s6 =	simm.s32 @p0 $0x1B8D  }
0xb3: {  	_ =	swait.eq @p0 [sflag:s6], $0x1  }
0xb4: {  	[sflag:s6] =	ssyncadd.s32 @p0 $0xFFFFFFFF  }
0xb5: {  	s7 =	sshll.u32 @!p0 s1, $0xE  }
0xb6: {  	s7 =	sor.u32 @!p0 $0x4000, s7;
	s6 =	simm.s32 @!p0 $0x1B8D  }
0xb7: {  	s5 =	sshll.u32 @!p0 s5, $0x11;
	s7 =	sadd.s32 @!p0 $0x11B8D, s7;
	_ =	swait.eq @!p0 [sflag:s6], $0x1  }
0xb8: {  	s5 =	sor.u32 @!p0 s5, s7;
	[sflag:s6] =	ssyncadd.s32 @!p0 $0xFFFFFFFF  }
0xb9: {  	s25 =	simm.s32 $0x1B8E;
	s24 =	sld [smem:$0x3FFE];
	[sflag:s5] =	ssyncadd.remote.s32 @!p0 $0x1  }
0xba: {  	s26 =	simm.s32 $execute0_lowered;
	[smem:$0x3FD2] =	sst s25  }
0xbb: {  	s6 =	sshll.u32 s26, $0x1;
	_ =	strace $0x80000049;
	[dreg:$0x1] =	wrdreg $0xFFFFFFFF  }
0xbc: {  	s28 =	simm.s32 $_size_execute0_lowered;
	s4 =	sadd.s32 s4, s6;
	[dreg:$0x0] =	wrdreg $0x0  }
0xbd: {  	s6 =	sshll.u32 s28, $0x1;
	[dreg:$0x2] =	wrdreg s4  }
0xbe: {  	[dreg:$0x3] =	wrdreg s6  }
0xbf: {  	[dreg:$0x4] =	wrdreg $0xC0  }
0xc0: {  	_ =	task [dreg:s22], $0x5FFFF  }
0xc1: {  	[dreg:$0x1] =	wrdreg $0xFFFFFFFF  }
0xc2: {  	[dreg:$0x0] =	wrdreg $0x60  }
0xc3: {  	[dreg:$0x2] =	wrdreg s24  }
0xc4: {  	[dreg:$0x3] =	wrdreg s17  }
0xc5: {  	[dreg:$0x4] =	wrdreg $0xA  }
0xc6: {  	_ =	task.clear_ibuf [dreg:s22], $0x5FFFF;
	_ =	strace $0x90000049  }
0xc7: {  	s29 =	simm.s32 $0xA;
	_ =	strace $0x8000004B  }
0xc8: {  	_ =	swait.ge [sflag:s29], $0x1  }
0xc9: {  	[sflag:s29] =	ssyncadd.s32 $0xFFFFFFFF  }
0xca: {  	_ =	strace $0x9000004B  }
0xcb: {  	_ =	sfence  }
0xcc: {  	s30 =	sld [smem:$0x0];
	_ =	sdelay $0x2  }
0xcd: {  	s31 =	sshll.u32 s1, $0xD;
	s1 =	sshrl.u32 s1, $0x2  }
0xce: {  	s4 =	sand.u32 $0x4000, s31;
	s1 =	sadd.s32 s1, s30  }
0xcf: {  	s0 =	sor.u32 s4, s0;
	s1 =	sshll.u32 s1, $0x11  }
0xd0: {  	s0 =	sor.u32 s1, s0  }
0xd1: {  	s0 =	sadd.s32 $0x8F2B, s0  }
0xd2: {  	[sflag:s0] =	ssyncadd.remote.s32 $0x1  }
0xd3: {  	_ =	sfence.sel $0xFFFF  }
0xd4: {  	[dreg:$0x0] =	wrdreg $0xFFFFFFFF;
	(pc) =	sbr.abs _section_cstart, $3  }
0xd5: {  	[dreg:$0x1] =	wrdreg $0xFFFFFFFF  }
0xd6: {  	_ =	task.clear_ibuf [dreg:s22], $0x2FFFF;
	_ =	strace $0x9FFFFFFF  }
0xd7: {  	(tm) =	ssettm $0x7FFFFFFF  }
tec
execute0_lowered:
.L_overlay_start_1:
0x0: {  	(tag) =	ssettag $0x1  }
0x1: {  	s0 =	rddreg [dreg:$0x0]  }
0x2: {  	s4 =	rddreg [dreg:$0x1]  }
0x3: {  	s1 =	stileid.u32;
	s2 =	srdreg.scid  }
0x4: {  	s8 =	simm.s32 $0x80;
	s9 =	simm.s32 $0x2;
	s10 =	simm.s32 $0x100  }
0x5: {  	s11 =	simm.s32 $0x900;
	s12 =	simm.s32 $0x1100;
	s13 =	simm.s32 $0x1900  }
0x6: {  	s14 =	simm.s32 $0x2100;
	s15 =	simm.s32 $0x2900;
	s16 =	simm.s32 $0x3100  }
0x7: {  	s17 =	simm.s32 $0x3900;
	s18 =	simm.s32 $0x4100;
	s19 =	simm.s32 $0x4900  }
0x8: {  	s20 =	simm.s32 $0x5100;
	s28 =	simm.s32 $0x8900;
	s29 =	simm.s32 $0x9100  }
0x9: {  	s30 =	simm.s32 $0x9900;
	s31 =	simm.s32 $0xA100;
	s5 =	sand.u32 $0x1, s2  }
0xa: {  	s3 =	sshll.u32 s1, $0x1;
	s2 =	simm.s32 $0x0;
	s6 =	sshll.u32 s1, $0x6  }
0xb: {  	s3 =	sor.u32 s5, s3;
	s6 =	sand.u32 $0x300, s6;
	[smem:$0x7FF] =	sst s2  }
0xc: {  	s5 =	ssub.s32 $0x2, s5;
	s7 =	sshll.u32 s3, $0x4;
	s3 =	smul.u32 $0x2A000, s3  }
0xd: {  	s6 =	sadd.s32 s6, s0;
	_ =	strace $0x8000004A;
	s7 =	sand.u32 $0x70, s7  }
0xe: {  	s24 =	sshrl.u32 s5, $0x1;
	[dreg:$0x7] =	wrdreg s8;
	s6 =	sadd.s32 s7, s6  }
0xf: {  	s21 =	sshrl.u32 s3, $0x3;
	s3 =	sadd.s32 $0xC1A00, s0;
	s7 =	ssub.s32 s5, s24  }
0x10: {  	s5 =	sadd.s32 $0xC1B00, s0;
	s24 =	simm.s32 $0x7100;
	s6 =	sadd.s32 $0x19600, s6  }
0x11: {  	s22 =	sadd.s32 s4, s21;
	s7 =	smax.u32 s7, $0x1;
	[dreg:$0x3] =	wrdreg s6  }
0x12: {  	s21 =	simm.s32 $0x5900;
	s23 =	sadd.s32 $0x1500, s22;
	[dreg:$0x8] =	wrdreg s22  }
0x13: {  	s4 =	simm.s32 $0x400;
	s25 =	sadd.s32 $0x2A00, s22;
	[dreg:$0x4] =	wrdreg s23  }
0x14: {  	v2 =	vlaneseq.u32;
	s26 =	sadd.s32 $0x3F00, s22;
	s6 =	sadd.s32 $0xC1C00, s0;
	[dreg:$0x5] =	wrdreg s25  }
0x15: {  	vm0 =	vmmov $0xffff;
	v1 =	vshrl.u32 v2, $0x3;
	s22 =	simm.s32 $0x6100;
	s0 =	simm.s32 $0x1;
	[dreg:$0x6] =	wrdreg s26  }
0x16: {  	v0 =	vand.u32 $0x7, v2;
	v2 =	vor.u32 $0x8, v2;
	v1 =	vmul.u32 $0x8, v1;
	s23 =	simm.s32 $0x6900;
	s25 =	simm.s32 $0x7900;
	s26 =	simm.s32 $0x8100  }
.LBB2_1:
0x17: {  	s1 =	rddreg [dreg:$0x3]  }
0x18: {  	s8 =	rddreg [dreg:$0x7]  }
0x19: {  	[tilespmem:s2], [sflag:$0x2] =	stream.strided.gather [hbm4b:s1+s8], $0x100, s4, s8, $0x38;
	[tilespmem:$0xA900] =	vst v63  }
0x1a: {  	_ =	swait.ge [sflag:s9], $0x100  }
0x1b: {  	[sflag:s9] =	ssyncset.done $0x0  }
0x1c: {  	[sflag:s9] =	ssyncadd.s32 $0xFFFFFF00  }
0x1d: {  	v3 =	vld [tilespmem:$0x0];
	_ =	sdelay $0x4  }
0x1e: {  	v4 =	vshrl.u32 v3, $0x3  }
0x1f: {  	v4 =	vmul.u32 $0x30, v4  }
0x20: {  	v3 =	vand.u32 $0x7, v3  }
0x21: {  	v3 =	vor.u32 v3, v4  }
0x22: {  	v4 =	vperm.xlane v3, v0;
	_ =	sdelay $0x1  }
0x23: {  	v4 =	vadd.s32 v1, v4;
	_ =	sdelay $0x3  }
0x24: {  	v3 =	vperm.xlane v3, v2  }
0x25: {  	[tilespmem:s10], [sflag:$0x1] =	stream.indirect_vreg.gather [hbm4b:s3+s2], $0x80, v4, vm0, $0xb8;
	[tilespmem:$0xA900] =	vst v63  }
0x26: {  	v3 =	vadd.s32 v1, v3  }
0x27: {  	[tilespmem:s11], [sflag:$0x1] =	stream.indirect_vreg.gather [hbm4b:s5+s2], $0x80, v4, vm0, $0xb8;
	[tilespmem:$0xA900] =	vst v63  }
0x28: {  	_ = 	snop  }
0x29: {  	[tilespmem:s12], [sflag:$0x1] =	stream.indirect_vreg.gather [hbm4b:s6+s2], $0x80, v4, vm0, $0xb8;
	[tilespmem:$0xA900] =	vst v63  }
0x2a: {  	_ = 	snop  }
0x2b: {  	[tilespmem:s13], [sflag:$0x1] =	stream.indirect_vreg.gather [hbm4b:s3+s2], $0x80, v3, vm0, $0xb8;
	[tilespmem:$0xA900] =	vst v63  }
0x2c: {  	_ = 	snop  }
0x2d: {  	[tilespmem:s14], [sflag:$0x1] =	stream.indirect_vreg.gather [hbm4b:s5+s2], $0x80, v3, vm0, $0xb8;
	[tilespmem:$0xA900] =	vst v63  }
0x2e: {  	_ = 	snop  }
0x2f: {  	[tilespmem:s15], [sflag:$0x1] =	stream.indirect_vreg.gather [hbm4b:s6+s2], $0x80, v3, vm0, $0xb8;
	[tilespmem:$0xA900] =	vst v63  }
0x30: {  	v3 =	vld [tilespmem:$0x10];
	_ =	sdelay $0x4  }
0x31: {  	v51 =	vshrl.u32 v3, $0x3  }
0x32: {  	v4 =	vmul.u32 $0x30, v51  }
0x33: {  	v3 =	vand.u32 $0x7, v3  }
0x34: {  	v3 =	vor.u32 v3, v4  }
0x35: {  	v4 =	vperm.xlane v3, v0;
	_ =	sdelay $0x1  }
0x36: {  	v4 =	vadd.s32 v1, v4;
	_ =	sdelay $0x3  }
0x37: {  	v3 =	vperm.xlane v3, v2  }
0x38: {  	[tilespmem:s16], [sflag:$0x1] =	stream.indirect_vreg.gather [hbm4b:s3+s2], $0x80, v4, vm0, $0xb8;
	[tilespmem:$0xA900] =	vst v63  }
0x39: {  	v3 =	vadd.s32 v1, v3  }
0x3a: {  	[tilespmem:s17], [sflag:$0x1] =	stream.indirect_vreg.gather [hbm4b:s5+s2], $0x80, v4, vm0, $0xb8;
	[tilespmem:$0xA900] =	vst v63  }
0x3b: {  	_ = 	snop  }
0x3c: {  	[tilespmem:s18], [sflag:$0x1] =	stream.indirect_vreg.gather [hbm4b:s6+s2], $0x80, v4, vm0, $0xb8;
	[tilespmem:$0xA900] =	vst v63  }
0x3d: {  	_ = 	snop  }
0x3e: {  	[tilespmem:s19], [sflag:$0x1] =	stream.indirect_vreg.gather [hbm4b:s3+s2], $0x80, v3, vm0, $0xb8;
	[tilespmem:$0xA900] =	vst v63  }
0x3f: {  	_ = 	snop  }
0x40: {  	[tilespmem:s20], [sflag:$0x1] =	stream.indirect_vreg.gather [hbm4b:s5+s2], $0x80, v3, vm0, $0xb8;
	[tilespmem:$0xA900] =	vst v63  }
0x41: {  	_ = 	snop  }
0x42: {  	[tilespmem:s21], [sflag:$0x1] =	stream.indirect_vreg.gather [hbm4b:s6+s2], $0x80, v3, vm0, $0xb8;
	[tilespmem:$0xA900] =	vst v63  }
0x43: {  	v3 =	vld [tilespmem:$0x20];
	_ =	sdelay $0x4  }
0x44: {  	v52 =	vshrl.u32 v3, $0x3  }
0x45: {  	v4 =	vmul.u32 $0x30, v52  }
0x46: {  	v3 =	vand.u32 $0x7, v3  }
0x47: {  	v3 =	vor.u32 v3, v4  }
0x48: {  	v4 =	vperm.xlane v3, v0;
	_ =	sdelay $0x1  }
0x49: {  	v4 =	vadd.s32 v1, v4;
	_ =	sdelay $0x3  }
0x4a: {  	v3 =	vperm.xlane v3, v2  }
0x4b: {  	[tilespmem:s22], [sflag:$0x1] =	stream.indirect_vreg.gather [hbm4b:s3+s2], $0x80, v4, vm0, $0xb8;
	[tilespmem:$0xA900] =	vst v63  }
0x4c: {  	v3 =	vadd.s32 v1, v3  }
0x4d: {  	[tilespmem:s23], [sflag:$0x1] =	stream.indirect_vreg.gather [hbm4b:s5+s2], $0x80, v4, vm0, $0xb8;
	[tilespmem:$0xA900] =	vst v63  }
0x4e: {  	_ = 	snop  }
0x4f: {  	[tilespmem:s24], [sflag:$0x1] =	stream.indirect_vreg.gather [hbm4b:s6+s2], $0x80, v4, vm0, $0xb8;
	[tilespmem:$0xA900] =	vst v63  }
0x50: {  	_ = 	snop  }
0x51: {  	[tilespmem:s25], [sflag:$0x1] =	stream.indirect_vreg.gather [hbm4b:s3+s2], $0x80, v3, vm0, $0xb8;
	[tilespmem:$0xA900] =	vst v63  }
0x52: {  	_ = 	snop  }
0x53: {  	[tilespmem:s26], [sflag:$0x1] =	stream.indirect_vreg.gather [hbm4b:s5+s2], $0x80, v3, vm0, $0xb8;
	[tilespmem:$0xA900] =	vst v63  }
0x54: {  	_ = 	snop  }
0x55: {  	[tilespmem:s28], [sflag:$0x1] =	stream.indirect_vreg.gather [hbm4b:s6+s2], $0x80, v3, vm0, $0xb8;
	[tilespmem:$0xA900] =	vst v63  }
0x56: {  	v3 =	vld.msk [tilespmem:$0x30], $0xff;
	_ =	sdelay $0x4  }
0x57: {  	v53 =	vshrl.u32 v3, $0x3  }
0x58: {  	v4 =	vmul.u32 $0x30, v53  }
0x59: {  	v3 =	vand.u32 $0x7, v3  }
0x5a: {  	v3 =	vor.u32 v3, v4  }
0x5b: {  	v3 =	vperm.xlane v3, v0;
	_ =	sdelay $0x1  }
0x5c: {  	v3 =	vadd.s32 v1, v3;
	_ =	sdelay $0x4  }
0x5d: {  	[tilespmem:s29], [sflag:$0x1] =	stream.indirect_vreg.gather [hbm4b:s3+s2], $0x80, v3, vm0, $0xb8;
	[tilespmem:$0xA900] =	vst v63  }
0x5e: {  	_ = 	snop  }
0x5f: {  	[tilespmem:s30], [sflag:$0x1] =	stream.indirect_vreg.gather [hbm4b:s5+s2], $0x80, v3, vm0, $0xb8;
	[tilespmem:$0xA900] =	vst v63  }
0x60: {  	_ = 	snop  }
0x61: {  	[tilespmem:s31], [sflag:$0x1] =	stream.indirect_vreg.gather [hbm4b:s6+s2], $0x80, v3, vm0, $0xb8;
	[tilespmem:$0xA900] =	vst v63  }
0x62: {  	_ =	swait.ge [sflag:s0], $0xA800  }
0x63: {  	[sflag:s0] =	ssyncset.done $0x0  }
0x64: {  	s8 =	rddreg [dreg:$0x8];
	[sflag:s0] =	ssyncadd.s32 $0xFFFF5800  }
0x65: {  	[hbm4b:s8+s2] =	stream.linear.scatter [tilespmem:s10], [sflag:$0x2], $0xA800, $0x38;
	[tilespmem:$0xA900] =	vst v63  }
0x66: {  	_ =	swait.ge [sflag:s9], $0xA800  }
0x67: {  	[sflag:s9] =	ssyncset.done $0x0  }
0x68: {  	[sflag:s9] =	ssyncadd.s32 $0xFFFF5800  }
0x69: {  	v3 =	vld [tilespmem:$0x38];
	_ =	sdelay $0x4  }
0x6a: {  	v54 =	vshrl.u32 v3, $0x3  }
0x6b: {  	v4 =	vmul.u32 $0x30, v54  }
0x6c: {  	v3 =	vand.u32 $0x7, v3  }
0x6d: {  	v3 =	vor.u32 v3, v4  }
0x6e: {  	v4 =	vperm.xlane v3, v0;
	_ =	sdelay $0x1  }
0x6f: {  	v4 =	vadd.s32 v1, v4;
	_ =	sdelay $0x3  }
0x70: {  	v3 =	vperm.xlane v3, v2  }
0x71: {  	[tilespmem:s10], [sflag:$0x1] =	stream.indirect_vreg.gather [hbm4b:s3+s2], $0x80, v4, vm0, $0xb8;
	[tilespmem:$0xA900] =	vst v63  }
0x72: {  	v3 =	vadd.s32 v1, v3  }
0x73: {  	[tilespmem:s11], [sflag:$0x1] =	stream.indirect_vreg.gather [hbm4b:s5+s2], $0x80, v4, vm0, $0xb8;
	[tilespmem:$0xA900] =	vst v63  }
0x74: {  	_ = 	snop  }
0x75: {  	[tilespmem:s12], [sflag:$0x1] =	stream.indirect_vreg.gather [hbm4b:s6+s2], $0x80, v4, vm0, $0xb8;
	[tilespmem:$0xA900] =	vst v63  }
0x76: {  	_ = 	snop  }
0x77: {  	[tilespmem:s13], [sflag:$0x1] =	stream.indirect_vreg.gather [hbm4b:s3+s2], $0x80, v3, vm0, $0xb8;
	[tilespmem:$0xA900] =	vst v63  }
0x78: {  	_ = 	snop  }
0x79: {  	[tilespmem:s14], [sflag:$0x1] =	stream.indirect_vreg.gather [hbm4b:s5+s2], $0x80, v3, vm0, $0xb8;
	[tilespmem:$0xA900] =	vst v63  }
0x7a: {  	_ = 	snop  }
0x7b: {  	[tilespmem:s15], [sflag:$0x1] =	stream.indirect_vreg.gather [hbm4b:s6+s2], $0x80, v3, vm0, $0xb8;
	[tilespmem:$0xA900] =	vst v63  }
0x7c: {  	v3 =	vld [tilespmem:$0x48];
	_ =	sdelay $0x4  }
0x7d: {  	v55 =	vshrl.u32 v3, $0x3  }
0x7e: {  	v4 =	vmul.u32 $0x30, v55  }
0x7f: {  	v3 =	vand.u32 $0x7, v3  }
0x80: {  	v3 =	vor.u32 v3, v4  }
0x81: {  	v4 =	vperm.xlane v3, v0;
	_ =	sdelay $0x1  }
0x82: {  	v4 =	vadd.s32 v1, v4;
	_ =	sdelay $0x3  }
0x83: {  	v3 =	vperm.xlane v3, v2  }
0x84: {  	[tilespmem:s16], [sflag:$0x1] =	stream.indirect_vreg.gather [hbm4b:s3+s2], $0x80, v4, vm0, $0xb8;
	[tilespmem:$0xA900] =	vst v63  }
0x85: {  	v3 =	vadd.s32 v1, v3  }
0x86: {  	[tilespmem:s17], [sflag:$0x1] =	stream.indirect_vreg.gather [hbm4b:s5+s2], $0x80, v4, vm0, $0xb8;
	[tilespmem:$0xA900] =	vst v63  }
0x87: {  	_ = 	snop  }
0x88: {  	[tilespmem:s18], [sflag:$0x1] =	stream.indirect_vreg.gather [hbm4b:s6+s2], $0x80, v4, vm0, $0xb8;
	[tilespmem:$0xA900] =	vst v63  }
0x89: {  	_ = 	snop  }
0x8a: {  	[tilespmem:s19], [sflag:$0x1] =	stream.indirect_vreg.gather [hbm4b:s3+s2], $0x80, v3, vm0, $0xb8;
	[tilespmem:$0xA900] =	vst v63  }
0x8b: {  	_ = 	snop  }
0x8c: {  	[tilespmem:s20], [sflag:$0x1] =	stream.indirect_vreg.gather [hbm4b:s5+s2], $0x80, v3, vm0, $0xb8;
	[tilespmem:$0xA900] =	vst v63  }
0x8d: {  	_ = 	snop  }
0x8e: {  	[tilespmem:s21], [sflag:$0x1] =	stream.indirect_vreg.gather [hbm4b:s6+s2], $0x80, v3, vm0, $0xb8;
	[tilespmem:$0xA900] =	vst v63  }
0x8f: {  	v3 =	vld [tilespmem:$0x58];
	_ =	sdelay $0x4  }
0x90: {  	v56 =	vshrl.u32 v3, $0x3  }
0x91: {  	v4 =	vmul.u32 $0x30, v56  }
0x92: {  	v3 =	vand.u32 $0x7, v3  }
0x93: {  	v3 =	vor.u32 v3, v4  }
0x94: {  	v4 =	vperm.xlane v3, v0;
	_ =	sdelay $0x1  }
0x95: {  	v4 =	vadd.s32 v1, v4;
	_ =	sdelay $0x3  }
0x96: {  	v3 =	vperm.xlane v3, v2  }
0x97: {  	[tilespmem:s22], [sflag:$0x1] =	stream.indirect_vreg.gather [hbm4b:s3+s2], $0x80, v4, vm0, $0xb8;
	[tilespmem:$0xA900] =	vst v63  }
0x98: {  	v3 =	vadd.s32 v1, v3  }
0x99: {  	[tilespmem:s23], [sflag:$0x1] =	stream.indirect_vreg.gather [hbm4b:s5+s2], $0x80, v4, vm0, $0xb8;
	[tilespmem:$0xA900] =	vst v63  }
0x9a: {  	_ = 	snop  }
0x9b: {  	[tilespmem:s24], [sflag:$0x1] =	stream.indirect_vreg.gather [hbm4b:s6+s2], $0x80, v4, vm0, $0xb8;
	[tilespmem:$0xA900] =	vst v63  }
0x9c: {  	_ = 	snop  }
0x9d: {  	[tilespmem:s25], [sflag:$0x1] =	stream.indirect_vreg.gather [hbm4b:s3+s2], $0x80, v3, vm0, $0xb8;
	[tilespmem:$0xA900] =	vst v63  }
0x9e: {  	_ = 	snop  }
0x9f: {  	[tilespmem:s26], [sflag:$0x1] =	stream.indirect_vreg.gather [hbm4b:s5+s2], $0x80, v3, vm0, $0xb8;
	[tilespmem:$0xA900] =	vst v63  }
0xa0: {  	_ = 	snop  }
0xa1: {  	[tilespmem:s28], [sflag:$0x1] =	stream.indirect_vreg.gather [hbm4b:s6+s2], $0x80, v3, vm0, $0xb8;
	[tilespmem:$0xA900] =	vst v63  }
0xa2: {  	v3 =	vld.msk [tilespmem:$0x68], $0xff;
	_ =	sdelay $0x4  }
0xa3: {  	v57 =	vshrl.u32 v3, $0x3  }
0xa4: {  	v4 =	vmul.u32 $0x30, v57  }
0xa5: {  	v3 =	vand.u32 $0x7, v3  }
0xa6: {  	v3 =	vor.u32 v3, v4  }
0xa7: {  	v3 =	vperm.xlane v3, v0;
	_ =	sdelay $0x1  }
0xa8: {  	v3 =	vadd.s32 v1, v3;
	_ =	sdelay $0x4  }
0xa9: {  	[tilespmem:s29], [sflag:$0x1] =	stream.indirect_vreg.gather [hbm4b:s3+s2], $0x80, v3, vm0, $0xb8;
	[tilespmem:$0xA900] =	vst v63  }
0xaa: {  	_ = 	snop  }
0xab: {  	[tilespmem:s30], [sflag:$0x1] =	stream.indirect_vreg.gather [hbm4b:s5+s2], $0x80, v3, vm0, $0xb8;
	[tilespmem:$0xA900] =	vst v63  }
0xac: {  	_ = 	snop  }
0xad: {  	[tilespmem:s31], [sflag:$0x1] =	stream.indirect_vreg.gather [hbm4b:s6+s2], $0x80, v3, vm0, $0xb8;
	[tilespmem:$0xA900] =	vst v63  }
0xae: {  	_ =	swait.ge [sflag:s0], $0xA800  }
0xaf: {  	[sflag:s0] =	ssyncset.done $0x0  }
0xb0: {  	s8 =	rddreg [dreg:$0x4];
	[sflag:s0] =	ssyncadd.s32 $0xFFFF5800  }
0xb1: {  	[hbm4b:s8+s2] =	stream.linear.scatter [tilespmem:s10], [sflag:$0x2], $0xA800, $0x38;
	[tilespmem:$0xA900] =	vst v63  }
0xb2: {  	_ =	swait.ge [sflag:s9], $0xA800  }
0xb3: {  	[sflag:s9] =	ssyncset.done $0x0  }
0xb4: {  	[sflag:s9] =	ssyncadd.s32 $0xFFFF5800  }
0xb5: {  	v3 =	vld [tilespmem:$0x70];
	_ =	sdelay $0x4  }
0xb6: {  	v58 =	vshrl.u32 v3, $0x3  }
0xb7: {  	v4 =	vmul.u32 $0x30, v58  }
0xb8: {  	v3 =	vand.u32 $0x7, v3  }
0xb9: {  	v3 =	vor.u32 v3, v4  }
0xba: {  	v4 =	vperm.xlane v3, v0;
	_ =	sdelay $0x1  }
0xbb: {  	v4 =	vadd.s32 v1, v4;
	_ =	sdelay $0x3  }
0xbc: {  	v3 =	vperm.xlane v3, v2  }
0xbd: {  	[tilespmem:s10], [sflag:$0x1] =	stream.indirect_vreg.gather [hbm4b:s3+s2], $0x80, v4, vm0, $0xb8;
	[tilespmem:$0xA900] =	vst v63  }
0xbe: {  	v3 =	vadd.s32 v1, v3  }
0xbf: {  	[tilespmem:s11], [sflag:$0x1] =	stream.indirect_vreg.gather [hbm4b:s5+s2], $0x80, v4, vm0, $0xb8;
	[tilespmem:$0xA900] =	vst v63  }
0xc0: {  	_ = 	snop  }
0xc1: {  	[tilespmem:s12], [sflag:$0x1] =	stream.indirect_vreg.gather [hbm4b:s6+s2], $0x80, v4, vm0, $0xb8;
	[tilespmem:$0xA900] =	vst v63  }
0xc2: {  	_ = 	snop  }
0xc3: {  	[tilespmem:s13], [sflag:$0x1] =	stream.indirect_vreg.gather [hbm4b:s3+s2], $0x80, v3, vm0, $0xb8;
	[tilespmem:$0xA900] =	vst v63  }
0xc4: {  	_ = 	snop  }
0xc5: {  	[tilespmem:s14], [sflag:$0x1] =	stream.indirect_vreg.gather [hbm4b:s5+s2], $0x80, v3, vm0, $0xb8;
	[tilespmem:$0xA900] =	vst v63  }
0xc6: {  	_ = 	snop  }
0xc7: {  	[tilespmem:s15], [sflag:$0x1] =	stream.indirect_vreg.gather [hbm4b:s6+s2], $0x80, v3, vm0, $0xb8;
	[tilespmem:$0xA900] =	vst v63  }
0xc8: {  	v3 =	vld [tilespmem:$0x80];
	_ =	sdelay $0x4  }
0xc9: {  	v59 =	vshrl.u32 v3, $0x3  }
0xca: {  	v4 =	vmul.u32 $0x30, v59  }
0xcb: {  	v3 =	vand.u32 $0x7, v3  }
0xcc: {  	v3 =	vor.u32 v3, v4  }
0xcd: {  	v4 =	vperm.xlane v3, v0;
	_ =	sdelay $0x1  }
0xce: {  	v4 =	vadd.s32 v1, v4;
	_ =	sdelay $0x3  }
0xcf: {  	v3 =	vperm.xlane v3, v2  }
0xd0: {  	[tilespmem:s16], [sflag:$0x1] =	stream.indirect_vreg.gather [hbm4b:s3+s2], $0x80, v4, vm0, $0xb8;
	[tilespmem:$0xA900] =	vst v63  }
0xd1: {  	v3 =	vadd.s32 v1, v3  }
0xd2: {  	[tilespmem:s17], [sflag:$0x1] =	stream.indirect_vreg.gather [hbm4b:s5+s2], $0x80, v4, vm0, $0xb8;
	[tilespmem:$0xA900] =	vst v63  }
0xd3: {  	_ = 	snop  }
0xd4: {  	[tilespmem:s18], [sflag:$0x1] =	stream.indirect_vreg.gather [hbm4b:s6+s2], $0x80, v4, vm0, $0xb8;
	[tilespmem:$0xA900] =	vst v63  }
0xd5: {  	_ = 	snop  }
0xd6: {  	[tilespmem:s19], [sflag:$0x1] =	stream.indirect_vreg.gather [hbm4b:s3+s2], $0x80, v3, vm0, $0xb8;
	[tilespmem:$0xA900] =	vst v63  }
0xd7: {  	_ = 	snop  }
0xd8: {  	[tilespmem:s20], [sflag:$0x1] =	stream.indirect_vreg.gather [hbm4b:s5+s2], $0x80, v3, vm0, $0xb8;
	[tilespmem:$0xA900] =	vst v63  }
0xd9: {  	_ = 	snop  }
0xda: {  	[tilespmem:s21], [sflag:$0x1] =	stream.indirect_vreg.gather [hbm4b:s6+s2], $0x80, v3, vm0, $0xb8;
	[tilespmem:$0xA900] =	vst v63  }
0xdb: {  	v3 =	vld [tilespmem:$0x90];
	_ =	sdelay $0x4  }
0xdc: {  	v60 =	vshrl.u32 v3, $0x3  }
0xdd: {  	v4 =	vmul.u32 $0x30, v60  }
0xde: {  	v3 =	vand.u32 $0x7, v3  }
0xdf: {  	v3 =	vor.u32 v3, v4  }
0xe0: {  	v4 =	vperm.xlane v3, v0;
	_ =	sdelay $0x1  }
0xe1: {  	v4 =	vadd.s32 v1, v4;
	_ =	sdelay $0x3  }
0xe2: {  	v3 =	vperm.xlane v3, v2  }
0xe3: {  	[tilespmem:s22], [sflag:$0x1] =	stream.indirect_vreg.gather [hbm4b:s3+s2], $0x80, v4, vm0, $0xb8;
	[tilespmem:$0xA900] =	vst v63  }
0xe4: {  	v3 =	vadd.s32 v1, v3  }
0xe5: {  	[tilespmem:s23], [sflag:$0x1] =	stream.indirect_vreg.gather [hbm4b:s5+s2], $0x80, v4, vm0, $0xb8;
	[tilespmem:$0xA900] =	vst v63  }
0xe6: {  	_ = 	snop  }
0xe7: {  	[tilespmem:s24], [sflag:$0x1] =	stream.indirect_vreg.gather [hbm4b:s6+s2], $0x80, v4, vm0, $0xb8;
	[tilespmem:$0xA900] =	vst v63  }
0xe8: {  	_ = 	snop  }
0xe9: {  	[tilespmem:s25], [sflag:$0x1] =	stream.indirect_vreg.gather [hbm4b:s3+s2], $0x80, v3, vm0, $0xb8;
	[tilespmem:$0xA900] =	vst v63  }
0xea: {  	_ = 	snop  }
0xeb: {  	[tilespmem:s26], [sflag:$0x1] =	stream.indirect_vreg.gather [hbm4b:s5+s2], $0x80, v3, vm0, $0xb8;
	[tilespmem:$0xA900] =	vst v63  }
0xec: {  	_ = 	snop  }
0xed: {  	[tilespmem:s28], [sflag:$0x1] =	stream.indirect_vreg.gather [hbm4b:s6+s2], $0x80, v3, vm0, $0xb8;
	[tilespmem:$0xA900] =	vst v63  }
0xee: {  	v3 =	vld.msk [tilespmem:$0xA0], $0xff;
	_ =	sdelay $0x4  }
0xef: {  	v61 =	vshrl.u32 v3, $0x3  }
0xf0: {  	v4 =	vmul.u32 $0x30, v61  }
0xf1: {  	v3 =	vand.u32 $0x7, v3  }
0xf2: {  	v3 =	vor.u32 v3, v4  }
0xf3: {  	v3 =	vperm.xlane v3, v0;
	_ =	sdelay $0x1  }
0xf4: {  	v3 =	vadd.s32 v1, v3;
	_ =	sdelay $0x4  }
0xf5: {  	[tilespmem:s29], [sflag:$0x1] =	stream.indirect_vreg.gather [hbm4b:s3+s2], $0x80, v3, vm0, $0xb8;
	[tilespmem:$0xA900] =	vst v63  }
0xf6: {  	_ = 	snop  }
0xf7: {  	[tilespmem:s30], [sflag:$0x1] =	stream.indirect_vreg.gather [hbm4b:s5+s2], $0x80, v3, vm0, $0xb8;
	[tilespmem:$0xA900] =	vst v63  }
0xf8: {  	_ = 	snop  }
0xf9: {  	[tilespmem:s31], [sflag:$0x1] =	stream.indirect_vreg.gather [hbm4b:s6+s2], $0x80, v3, vm0, $0xb8;
	[tilespmem:$0xA900] =	vst v63  }
0xfa: {  	_ =	swait.ge [sflag:s0], $0xA800  }
0xfb: {  	[sflag:s0] =	ssyncset.done $0x0  }
0xfc: {  	s8 =	rddreg [dreg:$0x5];
	[sflag:s0] =	ssyncadd.s32 $0xFFFF5800  }
0xfd: {  	[hbm4b:s8+s2] =	stream.linear.scatter [tilespmem:s10], [sflag:$0x2], $0xA800, $0x38;
	[tilespmem:$0xA900] =	vst v63  }
0xfe: {  	_ =	swait.ge [sflag:s9], $0xA800  }
0xff: {  	[sflag:s9] =	ssyncset.done $0x0  }
0x100: {  	[sflag:s9] =	ssyncadd.s32 $0xFFFF5800  }
0x101: {  	v3 =	vld [tilespmem:$0xA8];
	_ =	sdelay $0x4  }
0x102: {  	v62 =	vshrl.u32 v3, $0x3  }
0x103: {  	v4 =	vmul.u32 $0x30, v62  }
0x104: {  	v3 =	vand.u32 $0x7, v3  }
0x105: {  	v3 =	vor.u32 v3, v4  }
0x106: {  	v4 =	vperm.xlane v3, v0;
	_ =	sdelay $0x1  }
0x107: {  	v4 =	vadd.s32 v1, v4;
	_ =	sdelay $0x3  }
0x108: {  	v3 =	vperm.xlane v3, v2  }
0x109: {  	[tilespmem:s10], [sflag:$0x1] =	stream.indirect_vreg.gather [hbm4b:s3+s2], $0x80, v4, vm0, $0xb8;
	[tilespmem:$0xA900] =	vst v63  }
0x10a: {  	v3 =	vadd.s32 v1, v3  }
0x10b: {  	[tilespmem:s11], [sflag:$0x1] =	stream.indirect_vreg.gather [hbm4b:s5+s2], $0x80, v4, vm0, $0xb8;
	[tilespmem:$0xA900] =	vst v63  }
0x10c: {  	_ = 	snop  }
0x10d: {  	[tilespmem:s12], [sflag:$0x1] =	stream.indirect_vreg.gather [hbm4b:s6+s2], $0x80, v4, vm0, $0xb8;
	[tilespmem:$0xA900] =	vst v63  }
0x10e: {  	_ = 	snop  }
0x10f: {  	[tilespmem:s13], [sflag:$0x1] =	stream.indirect_vreg.gather [hbm4b:s3+s2], $0x80, v3, vm0, $0xb8;
	[tilespmem:$0xA900] =	vst v63  }
0x110: {  	_ = 	snop  }
0x111: {  	[tilespmem:s14], [sflag:$0x1] =	stream.indirect_vreg.gather [hbm4b:s5+s2], $0x80, v3, vm0, $0xb8;
	[tilespmem:$0xA900] =	vst v63  }
0x112: {  	_ = 	snop  }
0x113: {  	[tilespmem:s15], [sflag:$0x1] =	stream.indirect_vreg.gather [hbm4b:s6+s2], $0x80, v3, vm0, $0xb8;
	[tilespmem:$0xA900] =	vst v63  }
0x114: {  	v3 =	vld [tilespmem:$0xB8];
	_ =	sdelay $0x4  }
0x115: {  	v63 =	vshrl.u32 v3, $0x3  }
0x116: {  	v4 =	vmul.u32 $0x30, v63  }
0x117: {  	v3 =	vand.u32 $0x7, v3  }
0x118: {  	v3 =	vor.u32 v3, v4  }
0x119: {  	v4 =	vperm.xlane v3, v0;
	_ =	sdelay $0x1  }
0x11a: {  	v4 =	vadd.s32 v1, v4;
	_ =	sdelay $0x3  }
0x11b: {  	v3 =	vperm.xlane v3, v2  }
0x11c: {  	[tilespmem:s16], [sflag:$0x1] =	stream.indirect_vreg.gather [hbm4b:s3+s2], $0x80, v4, vm0, $0xb8;
	[tilespmem:$0xA900] =	vst v63  }
0x11d: {  	v3 =	vadd.s32 v1, v3  }
0x11e: {  	[tilespmem:s17], [sflag:$0x1] =	stream.indirect_vreg.gather [hbm4b:s5+s2], $0x80, v4, vm0, $0xb8;
	[tilespmem:$0xA900] =	vst v63  }
0x11f: {  	_ = 	snop  }
0x120: {  	[tilespmem:s18], [sflag:$0x1] =	stream.indirect_vreg.gather [hbm4b:s6+s2], $0x80, v4, vm0, $0xb8;
	[tilespmem:$0xA900] =	vst v63  }
0x121: {  	_ = 	snop  }
0x122: {  	[tilespmem:s19], [sflag:$0x1] =	stream.indirect_vreg.gather [hbm4b:s3+s2], $0x80, v3, vm0, $0xb8;
	[tilespmem:$0xA900] =	vst v63  }
0x123: {  	_ = 	snop  }
0x124: {  	[tilespmem:s20], [sflag:$0x1] =	stream.indirect_vreg.gather [hbm4b:s5+s2], $0x80, v3, vm0, $0xb8;
	[tilespmem:$0xA900] =	vst v63  }
0x125: {  	_ = 	snop  }
0x126: {  	[tilespmem:s21], [sflag:$0x1] =	stream.indirect_vreg.gather [hbm4b:s6+s2], $0x80, v3, vm0, $0xb8;
	[tilespmem:$0xA900] =	vst v63  }
0x127: {  	_ =	swait.ge [sflag:s0], $0x6000  }
0x128: {  	p0 =	sne.s32 s7, $0x1;
	[sflag:s0] =	ssyncset.done $0x0  }
.Ltmp0:
0x129: {  	s8 =	rddreg [dreg:$0x6];
	[sflag:s0] =	ssyncadd.s32 $0xFFFFA000;
	(pc) =	sbr.rel @p0 .LBB2_1-.Ltmp0, $4  }
0x12a: {  	[hbm4b:s8+s2] =	stream.linear.scatter [tilespmem:s10], [sflag:$0x2], $0x6000, $0x38;
	[tilespmem:$0xA900] =	vst v63  }
0x12b: {  	_ =	swait.ge [sflag:s9], $0x6000  }
0x12c: {  	[sflag:s9] =	ssyncset.done $0x0  }
0x12d: {  	s7 =	sadd.s32 $0xFFFFFFFF, s7;
	[sflag:s9] =	ssyncadd.s32 $0xFFFFA000  }
0x12e: {  	_ =	sfence.sel $0x180000  }
0x12f: {  	[bflag:$0x0] =	sbarrier.arrive $0xFFFF  }
0x130: {  	_ =	strace $0x9000004A  }
0x131: {  	s0 =	stileid.u32;
	[bflag:$0x2] =	sbarrier.arrive $0xFFFF  }
0x132: {  	p0 =	sne.s32 s0, $0x0;
	s0 =	rddreg [dreg:$0x2]  }
0x133: {  	s0 =	sadd.s32 @!p0 $0x100000, s0  }
0x134: {  	[sflag:s0] =	ssyncadd.tile.s32 @!p0 $0x1;
	_ =	shalt  }
.Lfunc_end2:
_tile_overlayer_lowered:
.L_overlay_start_2:
0x135: {  	(tag) =	ssettag $0x2  }
0x136: {  	s0 =	rddreg [dreg:$0x0];
	s2 =	stileid.u32  }
0x137: {  	s1 =	rddreg [dreg:$0x1];
	p0 =	sne.s32 s2, $0x0  }
0x138: {  	s3 =	rddreg [dreg:$0x2];
	[bflag:$0x3] =	sbarrier.arrive $0xFFFF;
	s2 =	simm.s32 @!p0 $0x1C02  }
0x139: {  	[timem:s3], [sflag:s2] =	dma.local @!p0 [hbm:s0], s1  }
0x13a: {  	s0 =	simm.s32 @!p0 $0x2  }
0x13b: {  	_ =	swait.ge @!p0 [sflag:s0], s1  }
0x13c: {  	s1 =	ssub.s32 @!p0 $0x0, s1;
	[sflag:s0] =	ssyncset.done @!p0 $0x0  }
0x13d: {  	[sflag:s0] =	ssyncadd.s32 @!p0 s1  }
0x13e: {  	[bflag:$0x3] =	sbarrier.arrive $0xFFFF  }
0x13f: {  	_ =	shalt  }

// kernel: kernel.7.cloned.1.call-start
scs
__scs_entry_jumppad:
0x0: {  	(pc) =	sbr.rel $0x88, $3  }
0x1: {  	(tag) =	ssettag $0x0;
	lr =	simm.s32 $0x1  }
0x2: {  	[smem:$0x3F9B] =	sst lr;
	_ =	strace $0xD0000000  }
0x3: {  	_ = 	snop  }
0x4: {  	_ = 	snop  }
0x5: {  	_ = 	snop  }
0x6: {  	_ = 	snop  }
0x7: {  	_ = 	snop  }
__scs_overlays_trampoline_lowered:
0x8: {  	[smem:$0x3FAA] =	sst s0  }
0x9: {  	[smem:$0x3FAB] =	sst s1  }
0xa: {  	[smem:$0x3FAC] =	sst s2  }
0xb: {  	[smem:$0x3FAD] =	sst s3  }
0xc: {  	[smem:$0x3FAE] =	sst s4  }
0xd: {  	[smem:$0x3FAF] =	sst s5  }
0xe: {  	[smem:$0x3FB0] =	sst s6  }
0xf: {  	[smem:$0x3FB1] =	sst s7  }
0x10: {  	[smem:$0x3FB2] =	sst s8  }
0x11: {  	[smem:$0x3FB3] =	sst s9;
	s0 =	simm.s32 @!p0 $0x0  }
0x12: {  	s1 =	sld [smem:$0x3F99];
	s0 =	simm.s32 @p0 $0x1  }
0x13: {  	[smem:$0x3FB4] =	sst s0;
	s0 =	simm.s32 @!p1 $0x0  }
0x14: {  	s2 =	sld [smem:$0x3F98];
	s0 =	simm.s32 @p1 $0x1  }
0x15: {  	[smem:$0x3FB5] =	sst s0;
	s0 =	simm.s32 @!p2 $0x0  }
0x16: {  	s3 =	sld [smem:$0x3FDB];
	s0 =	simm.s32 @p2 $0x1  }
0x17: {  	s4 =	simm.s32 $0x1BF5;
	[smem:$0x3FB7] =	sst s0  }
0x18: {  	s0 =	sld [smem:$0x3F9A];
	_ =	swait.ge [sflag:s4], $0x0  }
0x19: {  	s7 =	sld [smem:$0x3F9B]  }
0x1a: {  	s8 =	sadd.s32 $0xFFFFE003, lr  }
0x1b: {  	s9 =	sadd.s32 $0xFFFFFEF7, lr;
	s5 =	simm.s32 $0xFFFFFFFF;
	p2 =	slt.u32 s8, $0xFFFFF086  }
0x1c: {  	p1 =	slt.u32 s9, $0xF7A;
	s5 =	simm.s32 @!p2 $0x0  }
0x1d: {  	s5 =	simm.s32 @p1 $0x1;
	p0 =	seq.s32 s7, s2  }
0x1e: {  	s7 =	smul.u32 @!p0 $0xF7A, s2;
	p2 =	seq.s32 @!p0 s5, $0x0  }
0x1f: {  	s9 =	smul.u32 $0xF7A, s1;
	s8 =	simm.s32 @!p0 $0x1BF5;
	p2 =	por !p2, p0  }
0x20: {  	[sflag:s8] =	ssyncset.s32 @!p0 $0xFFFFF086;
	s6 =	sadd.s32 @!p0 s3, s7;
	s7 =	simm.s32 @!p0 $0x108  }
0x21: {  	s3 =	sadd.s32 s3, s9;
	s6 =	sadd.s32 @!p0 $0x88, s6;
	s7 =	simm.s32 @p2 $0x1082  }
0x22: {  	[simem:s7], [sflag:s8] =	dma.local @!p0 [hbm:s6], $0xF7A  }
0x23: {  	s9 =	sor.u32 $0xD0000000, s2;
	s6 =	simm.s32 $0x108;
	_ =	swait.ge @!p0 [sflag:s8], $0x0  }
0x24: {  	s3 =	sadd.s32 $0x88, s3;
	s6 =	simm.s32 @!p1 $0x1082;
	[sflag:s4] =	ssyncset.s32 $0xFFFFF086  }
0x25: {  	[simem:s6], [sflag:s4] =	dma.local [hbm:s3], $0xF7A  }
0x26: {  	[smem:$0x3F9B] =	sst s1;
	(tag) =	ssettag s2;
	_ =	strace s9  }
0x27: {  	s1 =	sld [smem:$0x3FAB]  }
0x28: {  	s2 =	sld [smem:$0x3FAC]  }
0x29: {  	s4 =	sld [smem:$0x3FAE]  }
0x2a: {  	p0 =	seq.s32 s5, $0x0;
	s5 =	sld [smem:$0x3FAF]  }
0x2b: {  	s6 =	sld [smem:$0x3FB0]  }
0x2c: {  	s7 =	sld [smem:$0x3FB1]  }
0x2d: {  	s3 =	simm.s32 $0x108;
	s8 =	sld [smem:$0x3FB2]  }
0x2e: {  	s3 =	simm.s32 @!p0 $0x1082;
	s9 =	sld [smem:$0x3FB3]  }
0x2f: {  	lr =	sadd.s32 s0, s3;
	s0 =	sld [smem:$0x3FAA]  }
0x30: {  	s3 =	sld [smem:$0x3FAD]  }
0x31: {  	[smem:$0x3FB6] =	sst s10  }
0x32: {  	s10 =	sld [smem:$0x3FB4];
	_ =	sdelay $0x3  }
0x33: {  	p0 =	seq.s32 s10, $0x1;
	s10 =	sld [smem:$0x3FB6];
	_ =	sdelay $0x3  }
0x34: {  	[smem:$0x3FB6] =	sst s10  }
0x35: {  	s10 =	sld [smem:$0x3FB5];
	_ =	sdelay $0x3  }
0x36: {  	p1 =	seq.s32 s10, $0x1;
	s10 =	sld [smem:$0x3FB6];
	_ =	sdelay $0x3  }
0x37: {  	[smem:$0x3FB6] =	sst s10  }
0x38: {  	s10 =	sld [smem:$0x3FB7]  }
0x39: {  	_ = 	snop;
	(pc) =	sbr.ind lr, $3  }
0x3a: {  	_ = 	snop  }
0x3b: {  	_ = 	snop  }
0x3c: {  	p2 =	seq.s32 s10, $0x1;
	s10 =	sld [smem:$0x3FB6]  }
0x3d: {  	_ =	shalt  }
0x3e: {  	_ =	shalt  }
0x3f: {  	_ =	shalt  }
0x40: {  	_ =	shalt  }
0x41: {  	_ =	shalt  }
0x42: {  	_ =	shalt  }
0x43: {  	_ =	shalt  }
0x44: {  	_ =	shalt  }
0x45: {  	_ =	shalt  }
0x46: {  	_ =	shalt  }
0x47: {  	_ =	shalt  }
0x48: {  	_ =	shalt  }
0x49: {  	_ =	shalt  }
0x4a: {  	_ =	shalt  }
0x4b: {  	_ =	shalt  }
0x4c: {  	_ =	shalt  }
0x4d: {  	_ =	shalt  }
0x4e: {  	_ =	shalt  }
0x4f: {  	_ =	shalt  }
0x50: {  	_ =	shalt  }
0x51: {  	_ =	shalt  }
0x52: {  	_ =	shalt  }
0x53: {  	_ =	shalt  }
0x54: {  	_ =	shalt  }
0x55: {  	_ =	shalt  }
0x56: {  	_ =	shalt  }
0x57: {  	_ =	shalt  }
0x58: {  	_ =	shalt  }
0x59: {  	_ =	shalt  }
0x5a: {  	_ =	shalt  }
0x5b: {  	_ =	shalt  }
0x5c: {  	_ =	shalt  }
0x5d: {  	_ =	shalt  }
0x5e: {  	_ =	shalt  }
0x5f: {  	_ =	shalt  }
0x60: {  	_ =	shalt  }
0x61: {  	_ =	shalt  }
0x62: {  	_ =	shalt  }
0x63: {  	_ =	shalt  }
0x64: {  	_ =	shalt  }
0x65: {  	_ =	shalt  }
0x66: {  	_ =	shalt  }
0x67: {  	_ =	shalt  }
0x68: {  	_ =	shalt  }
0x69: {  	_ =	shalt  }
0x6a: {  	_ =	shalt  }
0x6b: {  	_ =	shalt  }
0x6c: {  	_ =	shalt  }
0x6d: {  	_ =	shalt  }
0x6e: {  	_ =	shalt  }
0x6f: {  	_ =	shalt  }
0x70: {  	_ =	shalt  }
0x71: {  	_ =	shalt  }
0x72: {  	_ =	shalt  }
0x73: {  	_ =	shalt  }
0x74: {  	_ =	shalt  }
0x75: {  	_ =	shalt  }
0x76: {  	_ =	shalt  }
0x77: {  	_ =	shalt  }
0x78: {  	_ =	shalt  }
0x79: {  	_ =	shalt  }
0x7a: {  	_ =	shalt  }
0x7b: {  	_ =	shalt  }
0x7c: {  	_ =	shalt  }
0x7d: {  	_ =	shalt  }
0x7e: {  	_ =	shalt  }
0x7f: {  	_ =	shalt  }
0x80: {  	_ =	shalt  }
0x81: {  	_ =	shalt  }
0x82: {  	_ =	shalt  }
0x83: {  	_ =	shalt  }
0x84: {  	_ =	shalt  }
0x85: {  	_ =	shalt  }
0x86: {  	_ =	shalt  }
0x87: {  	_ =	shalt  }
.Lfunc_end0:
.L_simem_size_0:
called_computation.1_lowered:
.L_overlay_start_0:
0x88: {  	s2 =	sld [smem:$0x3FD9]  }
0x89: {  	s3 =	sld [smem:$0x3FFE];
	_ =	sdelay $0x1  }
0x8a: {  	s1 =	srdreg.scid  }
0x8b: {  	s0 =	sand.u32 $0x1, s1  }
0x8c: {  	s16 =	sshll.u32 s0, $0xA;
	s2 =	sadd.s32 s3, s2  }
0x8d: {  	s2 =	sadd.s32 s2, s16  }
0x8e: {  	[smem:$0x3FC2] =	sst s2  }
0x8f: {  	_ = 	snop  }
0x90: {  	(tm) =	ssettm $0x1  }
0x91: {  	s17 =	sld [smem:$0x3FFB];
	_ =	sdelay $0x3  }
0x92: {  	_ =	strace s17  }
0x93: {  	s2 =	sld [smem:$0x3FFC];
	_ =	sdelay $0x3  }
0x94: {  	_ =	strace s2  }
0x95: {  	s2 =	sld [smem:$0x3FFD];
	_ =	sdelay $0x3  }
0x96: {  	_ =	strace s2  }
0x97: {  	_ =	strace $0x8FFFFFFF  }
0x98: {  	s18 =	sld [smem:$0x3FDB];
	_ =	sdelay $0x1  }
0x99: {  	s19 =	simm.s32 $_scs_section_size  }
0x9a: {  	s4 =	simm.s32 $_size__tile_overlayer_lowered;
	s5 =	simm.s32 $_tile_overlayer_lowered  }
0x9b: {  	s22 =	simm.s32 $0x1BFF;
	s21 =	sshll.u32 s5, $0x1;
	s2 =	sadd.s32 s19, s18  }
0x9c: {  	s6 =	simm.s32 $0x0;
	s20 =	sshll.u32 s4, $0x1;
	s4 =	sadd.s32 s21, s2  }
0x9d: {  	[timem:s6], [sflag:s22] =	dma.local [hbm:s4], s20  }
0x9e: {  	_ =	swait.ge [sflag:s22], s20  }
0x9f: {  	s3 =	ssub.s32 $0x0, s20;
	[sflag:s22] =	ssyncset.done $0x0  }
0xa0: {  	[sflag:s22] =	ssyncadd.s32 s3;
	_ =	sdelay $0x1  }
0xa1: {  	s23 =	simm.s32 $0x1B8B  }
0xa2: {  	_ =	swait.ge [sflag:s23], $0x1  }
0xa3: {  	[sflag:s23] =	ssyncset.done $0x0  }
0xa4: {  	s25 =	simm.s32 $0x1B8E;
	s24 =	sld [smem:$0x3FFE];
	[sflag:s23] =	ssyncadd.s32 $0xFFFFFFFF  }
0xa5: {  	s26 =	simm.s32 $execute0_lowered;
	[smem:$0x3FD2] =	sst s25  }
0xa6: {  	s4 =	sshll.u32 s26, $0x1;
	_ =	strace $0x80000046;
	[dreg:$0x1] =	wrdreg $0xFFFFFFFF  }
0xa7: {  	s28 =	simm.s32 $_size_execute0_lowered;
	s2 =	sadd.s32 s2, s4;
	[dreg:$0x0] =	wrdreg $0x0  }
0xa8: {  	s4 =	sshll.u32 s28, $0x1;
	[dreg:$0x2] =	wrdreg s2  }
0xa9: {  	[dreg:$0x3] =	wrdreg s4  }
0xaa: {  	[dreg:$0x4] =	wrdreg $0xC0  }
0xab: {  	_ =	task [dreg:s6], $0x5FFFF  }
0xac: {  	[dreg:$0x1] =	wrdreg $0xFFFFFFFF  }
0xad: {  	[dreg:$0x0] =	wrdreg $0x60  }
0xae: {  	[dreg:$0x2] =	wrdreg s24  }
0xaf: {  	[dreg:$0x3] =	wrdreg $0x9  }
0xb0: {  	_ =	task.clear_ibuf [dreg:s6], $0x4FFFF;
	_ =	strace $0x90000046  }
0xb1: {  	s29 =	simm.s32 $0x9;
	_ =	strace $0x80000048  }
0xb2: {  	_ =	swait.ge [sflag:s29], $0x1  }
0xb3: {  	[sflag:s29] =	ssyncadd.s32 $0xFFFFFFFF  }
0xb4: {  	_ =	strace $0x90000048  }
0xb5: {  	_ =	sfence  }
0xb6: {  	s30 =	sld [smem:$0x0];
	_ =	sdelay $0x2  }
0xb7: {  	s31 =	sshll.u32 s1, $0xD;
	s1 =	sshrl.u32 s1, $0x2  }
0xb8: {  	s3 =	sand.u32 $0x4000, s31;
	s1 =	sadd.s32 s1, s30  }
0xb9: {  	s0 =	sor.u32 s3, s0;
	s1 =	sshll.u32 s1, $0x11  }
0xba: {  	s0 =	sor.u32 s1, s0  }
0xbb: {  	s0 =	sadd.s32 $0x8F2B, s0  }
0xbc: {  	[sflag:s0] =	ssyncadd.remote.s32 $0x1  }
0xbd: {  	_ =	sfence.sel $0xFFFF  }
0xbe: {  	[dreg:$0x0] =	wrdreg $0xFFFFFFFF;
	(pc) =	sbr.abs _section_cstart, $3  }
0xbf: {  	[dreg:$0x1] =	wrdreg $0xFFFFFFFF  }
0xc0: {  	_ =	task.clear_ibuf [dreg:s6], $0x2FFFF;
	_ =	strace $0x9FFFFFFF  }
0xc1: {  	(tm) =	ssettm $0x7FFFFFFF  }
tec
execute0_lowered:
.L_overlay_start_1:
0x0: {  	(tag) =	ssettag $0x1  }
0x1: {  	s0 =	rddreg [dreg:$0x0]  }
0x2: {  	s1 =	stileid.u32;
	s3 =	srdreg.scid  }
0x3: {  	s2 =	simm.s32 $0x0;
	s9 =	simm.s32 $0x2;
	s10 =	simm.s32 $0x100  }
0x4: {  	s11 =	simm.s32 $0x900;
	s12 =	simm.s32 $0x1100;
	s13 =	simm.s32 $0x1900  }
0x5: {  	s14 =	simm.s32 $0x2100;
	s15 =	simm.s32 $0x2900;
	s16 =	simm.s32 $0x3100  }
0x6: {  	s17 =	simm.s32 $0x3900;
	s18 =	simm.s32 $0x4100;
	s19 =	simm.s32 $0x4900  }
0x7: {  	s20 =	simm.s32 $0x5100;
	s21 =	simm.s32 $0x5900;
	s28 =	simm.s32 $0x8900  }
0x8: {  	s29 =	simm.s32 $0x9100;
	s30 =	simm.s32 $0x9900;
	s31 =	simm.s32 $0xA100  }
0x9: {  	s4 =	sand.u32 $0x1, s3;
	s22 =	sshll.u32 s1, $0x1;
	s5 =	sshll.u32 s1, $0x6  }
0xa: {  	[smem:$0x7FF] =	sst s2;
	s3 =	sor.u32 s4, s22;
	s5 =	sand.u32 $0x300, s5  }
0xb: {  	_ =	strace $0x80000047;
	s4 =	ssub.s32 $0x2, s4;
	s22 =	simm.s32 $0x6100  }
0xc: {  	s6 =	smul.u32 $0x2A000, s3;
	s3 =	sshll.u32 s3, $0x4;
	s5 =	sadd.s32 s5, s0  }
0xd: {  	s23 =	sshrl.u32 s4, $0x1;
	s7 =	sand.u32 $0x70, s3;
	s3 =	sadd.s32 $0xC1A00, s0  }
0xe: {  	s6 =	sshrl.u32 s6, $0x3;
	s5 =	sadd.s32 s7, s5;
	s7 =	ssub.s32 s4, s23  }
0xf: {  	s4 =	sadd.s32 $0xC1B00, s0;
	s6 =	sadd.s32 s6, s0;
	s5 =	sadd.s32 $0xC1600, s5  }
0x10: {  	s23 =	simm.s32 $0x6900;
	[dreg:$0x2] =	wrdreg s5;
	s24 =	sadd.s32 $0xCDA00, s6  }
0x11: {  	s25 =	sadd.s32 $0xCEF00, s6;
	s8 =	sadd.s32 $0xD0400, s6;
	[dreg:$0x3] =	wrdreg s24  }
0x12: {  	s5 =	sadd.s32 $0xC1C00, s0;
	s26 =	sadd.s32 $0xD1900, s6;
	[dreg:$0x4] =	wrdreg s25  }
0x13: {  	v2 =	vlaneseq.u32;
	s6 =	smax.u32 s7, $0x1;
	s7 =	simm.s32 $0x80;
	[dreg:$0x5] =	wrdreg s8  }
0x14: {  	vm0 =	vmmov $0xffff;
	v1 =	vshrl.u32 v2, $0x3;
	s0 =	simm.s32 $0x1;
	[dreg:$0x6] =	wrdreg s26;
	s8 =	simm.s32 $0x400  }
0x15: {  	v0 =	vand.u32 $0x7, v2;
	v2 =	vor.u32 $0x8, v2;
	v1 =	vmul.u32 $0x8, v1;
	s24 =	simm.s32 $0x7100;
	s25 =	simm.s32 $0x7900;
	s26 =	simm.s32 $0x8100  }
.LBB2_1:
0x16: {  	s1 =	rddreg [dreg:$0x2]  }
0x17: {  	[tilespmem:s2], [sflag:$0x2] =	stream.strided.gather [hbm4b:s1+s7], $0x100, s8, s7, $0x38;
	[tilespmem:$0xA900] =	vst v63  }
0x18: {  	_ =	swait.ge [sflag:s9], $0x100  }
0x19: {  	[sflag:s9] =	ssyncset.done $0x0  }
0x1a: {  	[sflag:s9] =	ssyncadd.s32 $0xFFFFFF00  }
0x1b: {  	v3 =	vld [tilespmem:$0x0];
	_ =	sdelay $0x4  }
0x1c: {  	v4 =	vshrl.u32 v3, $0x3  }
0x1d: {  	v4 =	vmul.u32 $0x30, v4  }
0x1e: {  	v3 =	vand.u32 $0x7, v3  }
0x1f: {  	v3 =	vor.u32 v3, v4  }
0x20: {  	v4 =	vperm.xlane v3, v0;
	_ =	sdelay $0x1  }
0x21: {  	v4 =	vadd.s32 v1, v4;
	_ =	sdelay $0x3  }
0x22: {  	v3 =	vperm.xlane v3, v2  }
0x23: {  	[tilespmem:s10], [sflag:$0x1] =	stream.indirect_vreg.gather [hbm4b:s3+s2], $0x80, v4, vm0, $0xb8;
	[tilespmem:$0xA900] =	vst v63  }
0x24: {  	v3 =	vadd.s32 v1, v3  }
0x25: {  	[tilespmem:s11], [sflag:$0x1] =	stream.indirect_vreg.gather [hbm4b:s4+s2], $0x80, v4, vm0, $0xb8;
	[tilespmem:$0xA900] =	vst v63  }
0x26: {  	_ = 	snop  }
0x27: {  	[tilespmem:s12], [sflag:$0x1] =	stream.indirect_vreg.gather [hbm4b:s5+s2], $0x80, v4, vm0, $0xb8;
	[tilespmem:$0xA900] =	vst v63  }
0x28: {  	_ = 	snop  }
0x29: {  	[tilespmem:s13], [sflag:$0x1] =	stream.indirect_vreg.gather [hbm4b:s3+s2], $0x80, v3, vm0, $0xb8;
	[tilespmem:$0xA900] =	vst v63  }
0x2a: {  	_ = 	snop  }
0x2b: {  	[tilespmem:s14], [sflag:$0x1] =	stream.indirect_vreg.gather [hbm4b:s4+s2], $0x80, v3, vm0, $0xb8;
	[tilespmem:$0xA900] =	vst v63  }
0x2c: {  	_ = 	snop  }
0x2d: {  	[tilespmem:s15], [sflag:$0x1] =	stream.indirect_vreg.gather [hbm4b:s5+s2], $0x80, v3, vm0, $0xb8;
	[tilespmem:$0xA900] =	vst v63  }
0x2e: {  	v3 =	vld [tilespmem:$0x10];
	_ =	sdelay $0x4  }
0x2f: {  	v51 =	vshrl.u32 v3, $0x3  }
0x30: {  	v4 =	vmul.u32 $0x30, v51  }
0x31: {  	v3 =	vand.u32 $0x7, v3  }
0x32: {  	v3 =	vor.u32 v3, v4  }
0x33: {  	v4 =	vperm.xlane v3, v0;
	_ =	sdelay $0x1  }
0x34: {  	v4 =	vadd.s32 v1, v4;
	_ =	sdelay $0x3  }
0x35: {  	v3 =	vperm.xlane v3, v2  }
0x36: {  	[tilespmem:s16], [sflag:$0x1] =	stream.indirect_vreg.gather [hbm4b:s3+s2], $0x80, v4, vm0, $0xb8;
	[tilespmem:$0xA900] =	vst v63  }
0x37: {  	v3 =	vadd.s32 v1, v3  }
0x38: {  	[tilespmem:s17], [sflag:$0x1] =	stream.indirect_vreg.gather [hbm4b:s4+s2], $0x80, v4, vm0, $0xb8;
	[tilespmem:$0xA900] =	vst v63  }
0x39: {  	_ = 	snop  }
0x3a: {  	[tilespmem:s18], [sflag:$0x1] =	stream.indirect_vreg.gather [hbm4b:s5+s2], $0x80, v4, vm0, $0xb8;
	[tilespmem:$0xA900] =	vst v63  }
0x3b: {  	_ = 	snop  }
0x3c: {  	[tilespmem:s19], [sflag:$0x1] =	stream.indirect_vreg.gather [hbm4b:s3+s2], $0x80, v3, vm0, $0xb8;
	[tilespmem:$0xA900] =	vst v63  }
0x3d: {  	_ = 	snop  }
0x3e: {  	[tilespmem:s20], [sflag:$0x1] =	stream.indirect_vreg.gather [hbm4b:s4+s2], $0x80, v3, vm0, $0xb8;
	[tilespmem:$0xA900] =	vst v63  }
0x3f: {  	_ = 	snop  }
0x40: {  	[tilespmem:s21], [sflag:$0x1] =	stream.indirect_vreg.gather [hbm4b:s5+s2], $0x80, v3, vm0, $0xb8;
	[tilespmem:$0xA900] =	vst v63  }
0x41: {  	v3 =	vld [tilespmem:$0x20];
	_ =	sdelay $0x4  }
0x42: {  	v52 =	vshrl.u32 v3, $0x3  }
0x43: {  	v4 =	vmul.u32 $0x30, v52  }
0x44: {  	v3 =	vand.u32 $0x7, v3  }
0x45: {  	v3 =	vor.u32 v3, v4  }
0x46: {  	v4 =	vperm.xlane v3, v0;
	_ =	sdelay $0x1  }
0x47: {  	v4 =	vadd.s32 v1, v4;
	_ =	sdelay $0x3  }
0x48: {  	v3 =	vperm.xlane v3, v2  }
0x49: {  	[tilespmem:s22], [sflag:$0x1] =	stream.indirect_vreg.gather [hbm4b:s3+s2], $0x80, v4, vm0, $0xb8;
	[tilespmem:$0xA900] =	vst v63  }
0x4a: {  	v3 =	vadd.s32 v1, v3  }
0x4b: {  	[tilespmem:s23], [sflag:$0x1] =	stream.indirect_vreg.gather [hbm4b:s4+s2], $0x80, v4, vm0, $0xb8;
	[tilespmem:$0xA900] =	vst v63  }
0x4c: {  	_ = 	snop  }
0x4d: {  	[tilespmem:s24], [sflag:$0x1] =	stream.indirect_vreg.gather [hbm4b:s5+s2], $0x80, v4, vm0, $0xb8;
	[tilespmem:$0xA900] =	vst v63  }
0x4e: {  	_ = 	snop  }
0x4f: {  	[tilespmem:s25], [sflag:$0x1] =	stream.indirect_vreg.gather [hbm4b:s3+s2], $0x80, v3, vm0, $0xb8;
	[tilespmem:$0xA900] =	vst v63  }
0x50: {  	_ = 	snop  }
0x51: {  	[tilespmem:s26], [sflag:$0x1] =	stream.indirect_vreg.gather [hbm4b:s4+s2], $0x80, v3, vm0, $0xb8;
	[tilespmem:$0xA900] =	vst v63  }
0x52: {  	_ = 	snop  }
0x53: {  	[tilespmem:s28], [sflag:$0x1] =	stream.indirect_vreg.gather [hbm4b:s5+s2], $0x80, v3, vm0, $0xb8;
	[tilespmem:$0xA900] =	vst v63  }
0x54: {  	v3 =	vld.msk [tilespmem:$0x30], $0xff;
	_ =	sdelay $0x4  }
0x55: {  	v53 =	vshrl.u32 v3, $0x3  }
0x56: {  	v4 =	vmul.u32 $0x30, v53  }
0x57: {  	v3 =	vand.u32 $0x7, v3  }
0x58: {  	v3 =	vor.u32 v3, v4  }
0x59: {  	v3 =	vperm.xlane v3, v0;
	_ =	sdelay $0x1  }
0x5a: {  	v3 =	vadd.s32 v1, v3;
	_ =	sdelay $0x4  }
0x5b: {  	[tilespmem:s29], [sflag:$0x1] =	stream.indirect_vreg.gather [hbm4b:s3+s2], $0x80, v3, vm0, $0xb8;
	[tilespmem:$0xA900] =	vst v63  }
0x5c: {  	_ = 	snop  }
0x5d: {  	[tilespmem:s30], [sflag:$0x1] =	stream.indirect_vreg.gather [hbm4b:s4+s2], $0x80, v3, vm0, $0xb8;
	[tilespmem:$0xA900] =	vst v63  }
0x5e: {  	_ = 	snop  }
0x5f: {  	[tilespmem:s31], [sflag:$0x1] =	stream.indirect_vreg.gather [hbm4b:s5+s2], $0x80, v3, vm0, $0xb8;
	[tilespmem:$0xA900] =	vst v63  }
0x60: {  	_ =	swait.ge [sflag:s0], $0xA800  }
0x61: {  	[sflag:s0] =	ssyncset.done $0x0  }
0x62: {  	s1 =	rddreg [dreg:$0x3];
	[sflag:s0] =	ssyncadd.s32 $0xFFFF5800  }
0x63: {  	[hbm4b:s1+s2] =	stream.linear.scatter [tilespmem:s10], [sflag:$0x2], $0xA800, $0x38;
	[tilespmem:$0xA900] =	vst v63  }
0x64: {  	_ =	swait.ge [sflag:s9], $0xA800  }
0x65: {  	[sflag:s9] =	ssyncset.done $0x0  }
0x66: {  	[sflag:s9] =	ssyncadd.s32 $0xFFFF5800  }
0x67: {  	v3 =	vld [tilespmem:$0x38];
	_ =	sdelay $0x4  }
0x68: {  	v54 =	vshrl.u32 v3, $0x3  }
0x69: {  	v4 =	vmul.u32 $0x30, v54  }
0x6a: {  	v3 =	vand.u32 $0x7, v3  }
0x6b: {  	v3 =	vor.u32 v3, v4  }
0x6c: {  	v4 =	vperm.xlane v3, v0;
	_ =	sdelay $0x1  }
0x6d: {  	v4 =	vadd.s32 v1, v4;
	_ =	sdelay $0x3  }
0x6e: {  	v3 =	vperm.xlane v3, v2  }
0x6f: {  	[tilespmem:s10], [sflag:$0x1] =	stream.indirect_vreg.gather [hbm4b:s3+s2], $0x80, v4, vm0, $0xb8;
	[tilespmem:$0xA900] =	vst v63  }
0x70: {  	v3 =	vadd.s32 v1, v3  }
0x71: {  	[tilespmem:s11], [sflag:$0x1] =	stream.indirect_vreg.gather [hbm4b:s4+s2], $0x80, v4, vm0, $0xb8;
	[tilespmem:$0xA900] =	vst v63  }
0x72: {  	_ = 	snop  }
0x73: {  	[tilespmem:s12], [sflag:$0x1] =	stream.indirect_vreg.gather [hbm4b:s5+s2], $0x80, v4, vm0, $0xb8;
	[tilespmem:$0xA900] =	vst v63  }
0x74: {  	_ = 	snop  }
0x75: {  	[tilespmem:s13], [sflag:$0x1] =	stream.indirect_vreg.gather [hbm4b:s3+s2], $0x80, v3, vm0, $0xb8;
	[tilespmem:$0xA900] =	vst v63  }
0x76: {  	_ = 	snop  }
0x77: {  	[tilespmem:s14], [sflag:$0x1] =	stream.indirect_vreg.gather [hbm4b:s4+s2], $0x80, v3, vm0, $0xb8;
	[tilespmem:$0xA900] =	vst v63  }
0x78: {  	_ = 	snop  }
0x79: {  	[tilespmem:s15], [sflag:$0x1] =	stream.indirect_vreg.gather [hbm4b:s5+s2], $0x80, v3, vm0, $0xb8;
	[tilespmem:$0xA900] =	vst v63  }
0x7a: {  	v3 =	vld [tilespmem:$0x48];
	_ =	sdelay $0x4  }
0x7b: {  	v55 =	vshrl.u32 v3, $0x3  }
0x7c: {  	v4 =	vmul.u32 $0x30, v55  }
0x7d: {  	v3 =	vand.u32 $0x7, v3  }
0x7e: {  	v3 =	vor.u32 v3, v4  }
0x7f: {  	v4 =	vperm.xlane v3, v0;
	_ =	sdelay $0x1  }
0x80: {  	v4 =	vadd.s32 v1, v4;
	_ =	sdelay $0x3  }
0x81: {  	v3 =	vperm.xlane v3, v2  }
0x82: {  	[tilespmem:s16], [sflag:$0x1] =	stream.indirect_vreg.gather [hbm4b:s3+s2], $0x80, v4, vm0, $0xb8;
	[tilespmem:$0xA900] =	vst v63  }
0x83: {  	v3 =	vadd.s32 v1, v3  }
0x84: {  	[tilespmem:s17], [sflag:$0x1] =	stream.indirect_vreg.gather [hbm4b:s4+s2], $0x80, v4, vm0, $0xb8;
	[tilespmem:$0xA900] =	vst v63  }
0x85: {  	_ = 	snop  }
0x86: {  	[tilespmem:s18], [sflag:$0x1] =	stream.indirect_vreg.gather [hbm4b:s5+s2], $0x80, v4, vm0, $0xb8;
	[tilespmem:$0xA900] =	vst v63  }
0x87: {  	_ = 	snop  }
0x88: {  	[tilespmem:s19], [sflag:$0x1] =	stream.indirect_vreg.gather [hbm4b:s3+s2], $0x80, v3, vm0, $0xb8;
	[tilespmem:$0xA900] =	vst v63  }
0x89: {  	_ = 	snop  }
0x8a: {  	[tilespmem:s20], [sflag:$0x1] =	stream.indirect_vreg.gather [hbm4b:s4+s2], $0x80, v3, vm0, $0xb8;
	[tilespmem:$0xA900] =	vst v63  }
0x8b: {  	_ = 	snop  }
0x8c: {  	[tilespmem:s21], [sflag:$0x1] =	stream.indirect_vreg.gather [hbm4b:s5+s2], $0x80, v3, vm0, $0xb8;
	[tilespmem:$0xA900] =	vst v63  }
0x8d: {  	v3 =	vld [tilespmem:$0x58];
	_ =	sdelay $0x4  }
0x8e: {  	v56 =	vshrl.u32 v3, $0x3  }
0x8f: {  	v4 =	vmul.u32 $0x30, v56  }
0x90: {  	v3 =	vand.u32 $0x7, v3  }
0x91: {  	v3 =	vor.u32 v3, v4  }
0x92: {  	v4 =	vperm.xlane v3, v0;
	_ =	sdelay $0x1  }
0x93: {  	v4 =	vadd.s32 v1, v4;
	_ =	sdelay $0x3  }
0x94: {  	v3 =	vperm.xlane v3, v2  }
0x95: {  	[tilespmem:s22], [sflag:$0x1] =	stream.indirect_vreg.gather [hbm4b:s3+s2], $0x80, v4, vm0, $0xb8;
	[tilespmem:$0xA900] =	vst v63  }
0x96: {  	v3 =	vadd.s32 v1, v3  }
0x97: {  	[tilespmem:s23], [sflag:$0x1] =	stream.indirect_vreg.gather [hbm4b:s4+s2], $0x80, v4, vm0, $0xb8;
	[tilespmem:$0xA900] =	vst v63  }
0x98: {  	_ = 	snop  }
0x99: {  	[tilespmem:s24], [sflag:$0x1] =	stream.indirect_vreg.gather [hbm4b:s5+s2], $0x80, v4, vm0, $0xb8;
	[tilespmem:$0xA900] =	vst v63  }
0x9a: {  	_ = 	snop  }
0x9b: {  	[tilespmem:s25], [sflag:$0x1] =	stream.indirect_vreg.gather [hbm4b:s3+s2], $0x80, v3, vm0, $0xb8;
	[tilespmem:$0xA900] =	vst v63  }
0x9c: {  	_ = 	snop  }
0x9d: {  	[tilespmem:s26], [sflag:$0x1] =	stream.indirect_vreg.gather [hbm4b:s4+s2], $0x80, v3, vm0, $0xb8;
	[tilespmem:$0xA900] =	vst v63  }
0x9e: {  	_ = 	snop  }
0x9f: {  	[tilespmem:s28], [sflag:$0x1] =	stream.indirect_vreg.gather [hbm4b:s5+s2], $0x80, v3, vm0, $0xb8;
	[tilespmem:$0xA900] =	vst v63  }
0xa0: {  	v3 =	vld.msk [tilespmem:$0x68], $0xff;
	_ =	sdelay $0x4  }
0xa1: {  	v57 =	vshrl.u32 v3, $0x3  }
0xa2: {  	v4 =	vmul.u32 $0x30, v57  }
0xa3: {  	v3 =	vand.u32 $0x7, v3  }
0xa4: {  	v3 =	vor.u32 v3, v4  }
0xa5: {  	v3 =	vperm.xlane v3, v0;
	_ =	sdelay $0x1  }
0xa6: {  	v3 =	vadd.s32 v1, v3;
	_ =	sdelay $0x4  }
0xa7: {  	[tilespmem:s29], [sflag:$0x1] =	stream.indirect_vreg.gather [hbm4b:s3+s2], $0x80, v3, vm0, $0xb8;
	[tilespmem:$0xA900] =	vst v63  }
0xa8: {  	_ = 	snop  }
0xa9: {  	[tilespmem:s30], [sflag:$0x1] =	stream.indirect_vreg.gather [hbm4b:s4+s2], $0x80, v3, vm0, $0xb8;
	[tilespmem:$0xA900] =	vst v63  }
0xaa: {  	_ = 	snop  }
0xab: {  	[tilespmem:s31], [sflag:$0x1] =	stream.indirect_vreg.gather [hbm4b:s5+s2], $0x80, v3, vm0, $0xb8;
	[tilespmem:$0xA900] =	vst v63  }
0xac: {  	_ =	swait.ge [sflag:s0], $0xA800  }
0xad: {  	[sflag:s0] =	ssyncset.done $0x0  }
0xae: {  	s1 =	rddreg [dreg:$0x4];
	[sflag:s0] =	ssyncadd.s32 $0xFFFF5800  }
0xaf: {  	[hbm4b:s1+s2] =	stream.linear.scatter [tilespmem:s10], [sflag:$0x2], $0xA800, $0x38;
	[tilespmem:$0xA900] =	vst v63  }
0xb0: {  	_ =	swait.ge [sflag:s9], $0xA800  }
0xb1: {  	[sflag:s9] =	ssyncset.done $0x0  }
0xb2: {  	[sflag:s9] =	ssyncadd.s32 $0xFFFF5800  }
0xb3: {  	v3 =	vld [tilespmem:$0x70];
	_ =	sdelay $0x4  }
0xb4: {  	v58 =	vshrl.u32 v3, $0x3  }
0xb5: {  	v4 =	vmul.u32 $0x30, v58  }
0xb6: {  	v3 =	vand.u32 $0x7, v3  }
0xb7: {  	v3 =	vor.u32 v3, v4  }
0xb8: {  	v4 =	vperm.xlane v3, v0;
	_ =	sdelay $0x1  }
0xb9: {  	v4 =	vadd.s32 v1, v4;
	_ =	sdelay $0x3  }
0xba: {  	v3 =	vperm.xlane v3, v2  }
0xbb: {  	[tilespmem:s10], [sflag:$0x1] =	stream.indirect_vreg.gather [hbm4b:s3+s2], $0x80, v4, vm0, $0xb8;
	[tilespmem:$0xA900] =	vst v63  }
0xbc: {  	v3 =	vadd.s32 v1, v3  }
0xbd: {  	[tilespmem:s11], [sflag:$0x1] =	stream.indirect_vreg.gather [hbm4b:s4+s2], $0x80, v4, vm0, $0xb8;
	[tilespmem:$0xA900] =	vst v63  }
0xbe: {  	_ = 	snop  }
0xbf: {  	[tilespmem:s12], [sflag:$0x1] =	stream.indirect_vreg.gather [hbm4b:s5+s2], $0x80, v4, vm0, $0xb8;
	[tilespmem:$0xA900] =	vst v63  }
0xc0: {  	_ = 	snop  }
0xc1: {  	[tilespmem:s13], [sflag:$0x1] =	stream.indirect_vreg.gather [hbm4b:s3+s2], $0x80, v3, vm0, $0xb8;
	[tilespmem:$0xA900] =	vst v63  }
0xc2: {  	_ = 	snop  }
0xc3: {  	[tilespmem:s14], [sflag:$0x1] =	stream.indirect_vreg.gather [hbm4b:s4+s2], $0x80, v3, vm0, $0xb8;
	[tilespmem:$0xA900] =	vst v63  }
0xc4: {  	_ = 	snop  }
0xc5: {  	[tilespmem:s15], [sflag:$0x1] =	stream.indirect_vreg.gather [hbm4b:s5+s2], $0x80, v3, vm0, $0xb8;
	[tilespmem:$0xA900] =	vst v63  }
0xc6: {  	v3 =	vld [tilespmem:$0x80];
	_ =	sdelay $0x4  }
0xc7: {  	v59 =	vshrl.u32 v3, $0x3  }
0xc8: {  	v4 =	vmul.u32 $0x30, v59  }
0xc9: {  	v3 =	vand.u32 $0x7, v3  }
0xca: {  	v3 =	vor.u32 v3, v4  }
0xcb: {  	v4 =	vperm.xlane v3, v0;
	_ =	sdelay $0x1  }
0xcc: {  	v4 =	vadd.s32 v1, v4;
	_ =	sdelay $0x3  }
0xcd: {  	v3 =	vperm.xlane v3, v2  }
0xce: {  	[tilespmem:s16], [sflag:$0x1] =	stream.indirect_vreg.gather [hbm4b:s3+s2], $0x80, v4, vm0, $0xb8;
	[tilespmem:$0xA900] =	vst v63  }
0xcf: {  	v3 =	vadd.s32 v1, v3  }
0xd0: {  	[tilespmem:s17], [sflag:$0x1] =	stream.indirect_vreg.gather [hbm4b:s4+s2], $0x80, v4, vm0, $0xb8;
	[tilespmem:$0xA900] =	vst v63  }
0xd1: {  	_ = 	snop  }
0xd2: {  	[tilespmem:s18], [sflag:$0x1] =	stream.indirect_vreg.gather [hbm4b:s5+s2], $0x80, v4, vm0, $0xb8;
	[tilespmem:$0xA900] =	vst v63  }
0xd3: {  	_ = 	snop  }
0xd4: {  	[tilespmem:s19], [sflag:$0x1] =	stream.indirect_vreg.gather [hbm4b:s3+s2], $0x80, v3, vm0, $0xb8;
	[tilespmem:$0xA900] =	vst v63  }
0xd5: {  	_ = 	snop  }
0xd6: {  	[tilespmem:s20], [sflag:$0x1] =	stream.indirect_vreg.gather [hbm4b:s4+s2], $0x80, v3, vm0, $0xb8;
	[tilespmem:$0xA900] =	vst v63  }
0xd7: {  	_ = 	snop  }
0xd8: {  	[tilespmem:s21], [sflag:$0x1] =	stream.indirect_vreg.gather [hbm4b:s5+s2], $0x80, v3, vm0, $0xb8;
	[tilespmem:$0xA900] =	vst v63  }
0xd9: {  	v3 =	vld [tilespmem:$0x90];
	_ =	sdelay $0x4  }
0xda: {  	v60 =	vshrl.u32 v3, $0x3  }
0xdb: {  	v4 =	vmul.u32 $0x30, v60  }
0xdc: {  	v3 =	vand.u32 $0x7, v3  }
0xdd: {  	v3 =	vor.u32 v3, v4  }
0xde: {  	v4 =	vperm.xlane v3, v0;
	_ =	sdelay $0x1  }
0xdf: {  	v4 =	vadd.s32 v1, v4;
	_ =	sdelay $0x3  }
0xe0: {  	v3 =	vperm.xlane v3, v2  }
0xe1: {  	[tilespmem:s22], [sflag:$0x1] =	stream.indirect_vreg.gather [hbm4b:s3+s2], $0x80, v4, vm0, $0xb8;
	[tilespmem:$0xA900] =	vst v63  }
0xe2: {  	v3 =	vadd.s32 v1, v3  }
0xe3: {  	[tilespmem:s23], [sflag:$0x1] =	stream.indirect_vreg.gather [hbm4b:s4+s2], $0x80, v4, vm0, $0xb8;
	[tilespmem:$0xA900] =	vst v63  }
0xe4: {  	_ = 	snop  }
0xe5: {  	[tilespmem:s24], [sflag:$0x1] =	stream.indirect_vreg.gather [hbm4b:s5+s2], $0x80, v4, vm0, $0xb8;
	[tilespmem:$0xA900] =	vst v63  }
0xe6: {  	_ = 	snop  }
0xe7: {  	[tilespmem:s25], [sflag:$0x1] =	stream.indirect_vreg.gather [hbm4b:s3+s2], $0x80, v3, vm0, $0xb8;
	[tilespmem:$0xA900] =	vst v63  }
0xe8: {  	_ = 	snop  }
0xe9: {  	[tilespmem:s26], [sflag:$0x1] =	stream.indirect_vreg.gather [hbm4b:s4+s2], $0x80, v3, vm0, $0xb8;
	[tilespmem:$0xA900] =	vst v63  }
0xea: {  	_ = 	snop  }
0xeb: {  	[tilespmem:s28], [sflag:$0x1] =	stream.indirect_vreg.gather [hbm4b:s5+s2], $0x80, v3, vm0, $0xb8;
	[tilespmem:$0xA900] =	vst v63  }
0xec: {  	v3 =	vld.msk [tilespmem:$0xA0], $0xff;
	_ =	sdelay $0x4  }
0xed: {  	v61 =	vshrl.u32 v3, $0x3  }
0xee: {  	v4 =	vmul.u32 $0x30, v61  }
0xef: {  	v3 =	vand.u32 $0x7, v3  }
0xf0: {  	v3 =	vor.u32 v3, v4  }
0xf1: {  	v3 =	vperm.xlane v3, v0;
	_ =	sdelay $0x1  }
0xf2: {  	v3 =	vadd.s32 v1, v3;
	_ =	sdelay $0x4  }
0xf3: {  	[tilespmem:s29], [sflag:$0x1] =	stream.indirect_vreg.gather [hbm4b:s3+s2], $0x80, v3, vm0, $0xb8;
	[tilespmem:$0xA900] =	vst v63  }
0xf4: {  	_ = 	snop  }
0xf5: {  	[tilespmem:s30], [sflag:$0x1] =	stream.indirect_vreg.gather [hbm4b:s4+s2], $0x80, v3, vm0, $0xb8;
	[tilespmem:$0xA900] =	vst v63  }
0xf6: {  	_ = 	snop  }
0xf7: {  	[tilespmem:s31], [sflag:$0x1] =	stream.indirect_vreg.gather [hbm4b:s5+s2], $0x80, v3, vm0, $0xb8;
	[tilespmem:$0xA900] =	vst v63  }
0xf8: {  	_ =	swait.ge [sflag:s0], $0xA800  }
0xf9: {  	[sflag:s0] =	ssyncset.done $0x0  }
0xfa: {  	s1 =	rddreg [dreg:$0x5];
	[sflag:s0] =	ssyncadd.s32 $0xFFFF5800  }
0xfb: {  	[hbm4b:s1+s2] =	stream.linear.scatter [tilespmem:s10], [sflag:$0x2], $0xA800, $0x38;
	[tilespmem:$0xA900] =	vst v63  }
0xfc: {  	_ =	swait.ge [sflag:s9], $0xA800  }
0xfd: {  	[sflag:s9] =	ssyncset.done $0x0  }
0xfe: {  	[sflag:s9] =	ssyncadd.s32 $0xFFFF5800  }
0xff: {  	v3 =	vld [tilespmem:$0xA8];
	_ =	sdelay $0x4  }
0x100: {  	v62 =	vshrl.u32 v3, $0x3  }
0x101: {  	v4 =	vmul.u32 $0x30, v62  }
0x102: {  	v3 =	vand.u32 $0x7, v3  }
0x103: {  	v3 =	vor.u32 v3, v4  }
0x104: {  	v4 =	vperm.xlane v3, v0;
	_ =	sdelay $0x1  }
0x105: {  	v4 =	vadd.s32 v1, v4;
	_ =	sdelay $0x3  }
0x106: {  	v3 =	vperm.xlane v3, v2  }
0x107: {  	[tilespmem:s10], [sflag:$0x1] =	stream.indirect_vreg.gather [hbm4b:s3+s2], $0x80, v4, vm0, $0xb8;
	[tilespmem:$0xA900] =	vst v63  }
0x108: {  	v3 =	vadd.s32 v1, v3  }
0x109: {  	[tilespmem:s11], [sflag:$0x1] =	stream.indirect_vreg.gather [hbm4b:s4+s2], $0x80, v4, vm0, $0xb8;
	[tilespmem:$0xA900] =	vst v63  }
0x10a: {  	_ = 	snop  }
0x10b: {  	[tilespmem:s12], [sflag:$0x1] =	stream.indirect_vreg.gather [hbm4b:s5+s2], $0x80, v4, vm0, $0xb8;
	[tilespmem:$0xA900] =	vst v63  }
0x10c: {  	_ = 	snop  }
0x10d: {  	[tilespmem:s13], [sflag:$0x1] =	stream.indirect_vreg.gather [hbm4b:s3+s2], $0x80, v3, vm0, $0xb8;
	[tilespmem:$0xA900] =	vst v63  }
0x10e: {  	_ = 	snop  }
0x10f: {  	[tilespmem:s14], [sflag:$0x1] =	stream.indirect_vreg.gather [hbm4b:s4+s2], $0x80, v3, vm0, $0xb8;
	[tilespmem:$0xA900] =	vst v63  }
0x110: {  	_ = 	snop  }
0x111: {  	[tilespmem:s15], [sflag:$0x1] =	stream.indirect_vreg.gather [hbm4b:s5+s2], $0x80, v3, vm0, $0xb8;
	[tilespmem:$0xA900] =	vst v63  }
0x112: {  	v3 =	vld [tilespmem:$0xB8];
	_ =	sdelay $0x4  }
0x113: {  	v63 =	vshrl.u32 v3, $0x3  }
0x114: {  	v4 =	vmul.u32 $0x30, v63  }
0x115: {  	v3 =	vand.u32 $0x7, v3  }
0x116: {  	v3 =	vor.u32 v3, v4  }
0x117: {  	v4 =	vperm.xlane v3, v0;
	_ =	sdelay $0x1  }
0x118: {  	v4 =	vadd.s32 v1, v4;
	_ =	sdelay $0x3  }
0x119: {  	v3 =	vperm.xlane v3, v2  }
0x11a: {  	[tilespmem:s16], [sflag:$0x1] =	stream.indirect_vreg.gather [hbm4b:s3+s2], $0x80, v4, vm0, $0xb8;
	[tilespmem:$0xA900] =	vst v63  }
0x11b: {  	v3 =	vadd.s32 v1, v3  }
0x11c: {  	[tilespmem:s17], [sflag:$0x1] =	stream.indirect_vreg.gather [hbm4b:s4+s2], $0x80, v4, vm0, $0xb8;
	[tilespmem:$0xA900] =	vst v63  }
0x11d: {  	_ = 	snop  }
0x11e: {  	[tilespmem:s18], [sflag:$0x1] =	stream.indirect_vreg.gather [hbm4b:s5+s2], $0x80, v4, vm0, $0xb8;
	[tilespmem:$0xA900] =	vst v63  }
0x11f: {  	_ = 	snop  }
0x120: {  	[tilespmem:s19], [sflag:$0x1] =	stream.indirect_vreg.gather [hbm4b:s3+s2], $0x80, v3, vm0, $0xb8;
	[tilespmem:$0xA900] =	vst v63  }
0x121: {  	_ = 	snop  }
0x122: {  	[tilespmem:s20], [sflag:$0x1] =	stream.indirect_vreg.gather [hbm4b:s4+s2], $0x80, v3, vm0, $0xb8;
	[tilespmem:$0xA900] =	vst v63  }
0x123: {  	_ = 	snop  }
0x124: {  	[tilespmem:s21], [sflag:$0x1] =	stream.indirect_vreg.gather [hbm4b:s5+s2], $0x80, v3, vm0, $0xb8;
	[tilespmem:$0xA900] =	vst v63  }
0x125: {  	_ =	swait.ge [sflag:s0], $0x6000  }
0x126: {  	p0 =	sne.s32 s6, $0x1;
	[sflag:s0] =	ssyncset.done $0x0  }
.Ltmp0:
0x127: {  	s1 =	rddreg [dreg:$0x6];
	[sflag:s0] =	ssyncadd.s32 $0xFFFFA000;
	(pc) =	sbr.rel @p0 .LBB2_1-.Ltmp0, $4  }
0x128: {  	[hbm4b:s1+s2] =	stream.linear.scatter [tilespmem:s10], [sflag:$0x2], $0x6000, $0x38;
	[tilespmem:$0xA900] =	vst v63  }
0x129: {  	_ =	swait.ge [sflag:s9], $0x6000  }
0x12a: {  	[sflag:s9] =	ssyncset.done $0x0  }
0x12b: {  	s6 =	sadd.s32 $0xFFFFFFFF, s6;
	[sflag:s9] =	ssyncadd.s32 $0xFFFFA000  }
0x12c: {  	_ =	sfence.sel $0x180000  }
0x12d: {  	[bflag:$0x0] =	sbarrier.arrive $0xFFFF  }
0x12e: {  	_ =	strace $0x90000047  }
0x12f: {  	s0 =	stileid.u32;
	[bflag:$0x2] =	sbarrier.arrive $0xFFFF  }
0x130: {  	p0 =	sne.s32 s0, $0x0;
	s0 =	rddreg [dreg:$0x1]  }
0x131: {  	s0 =	sadd.s32 @!p0 $0x100000, s0  }
0x132: {  	[sflag:s0] =	ssyncadd.tile.s32 @!p0 $0x1;
	_ =	shalt  }
.Lfunc_end2:
_tile_overlayer_lowered:
.L_overlay_start_2:
0x133: {  	(tag) =	ssettag $0x2  }
0x134: {  	s0 =	rddreg [dreg:$0x0];
	s2 =	stileid.u32  }
0x135: {  	s1 =	rddreg [dreg:$0x1];
	p0 =	sne.s32 s2, $0x0  }
0x136: {  	s3 =	rddreg [dreg:$0x2];
	[bflag:$0x3] =	sbarrier.arrive $0xFFFF;
	s2 =	simm.s32 @!p0 $0x1C02  }
0x137: {  	[timem:s3], [sflag:s2] =	dma.local @!p0 [hbm:s0], s1  }
0x138: {  	s0 =	simm.s32 @!p0 $0x2  }
0x139: {  	_ =	swait.ge @!p0 [sflag:s0], s1  }
0x13a: {  	s1 =	ssub.s32 @!p0 $0x0, s1;
	[sflag:s0] =	ssyncset.done @!p0 $0x0  }
0x13b: {  	[sflag:s0] =	ssyncadd.s32 @!p0 s1  }
0x13c: {  	[bflag:$0x3] =	sbarrier.arrive $0xFFFF  }
0x13d: {  	_ =	shalt  }

// kernel: sparse-core-data-format-call.cloned.1.call-start
scs
called_computation_lowered:
.L_overlay_start_0:
0x0: {  	s2 =	sld [smem:$0x3FD9]  }
0x1: {  	s3 =	sld [smem:$0x3FFE];
	_ =	sdelay $0x1  }
0x2: {  	s1 =	srdreg.scid  }
0x3: {  	s0 =	sand.u32 $0x1, s1  }
0x4: {  	s15 =	sshll.u32 s0, $0xA;
	s2 =	sadd.s32 s3, s2  }
0x5: {  	s2 =	sadd.s32 s2, s15  }
0x6: {  	[smem:$0x3FC2] =	sst s2  }
0x7: {  	_ = 	snop  }
0x8: {  	s2 =	sld [smem:$0x3FD0];
	_ =	sdelay $0x2  }
0x9: {  	s16 =	simm.s32 $0xB;
	s4 =	simm.s32 $0x10  }
0xa: {  	[smem:s4], [sflag:s16] =	dma.local [hbm:s2], $0x1  }
0xb: {  	_ =	swait.eq [sflag:s16], $0x1  }
0xc: {  	[sflag:s16] =	ssyncset.done $0x0  }
0xd: {  	[sflag:s16] =	ssyncadd.s32 $0xFFFFFFFF  }
0xe: {  	s17 =	sld [smem:$0x10];
	(tm) =	ssettm $0x1  }
0xf: {  	s18 =	sld [smem:$0x3FFB];
	_ =	sdelay $0x3  }
0x10: {  	_ =	strace s18  }
0x11: {  	s3 =	sld [smem:$0x3FFC];
	_ =	sdelay $0x3  }
0x12: {  	_ =	strace s3  }
0x13: {  	s3 =	sld [smem:$0x3FFD];
	_ =	sdelay $0x3  }
0x14: {  	_ =	strace s3  }
0x15: {  	_ =	strace $0x8FFFFFFF  }
0x16: {  	s19 =	sld [smem:$0x3FDB];
	_ =	sdelay $0x1  }
0x17: {  	s20 =	simm.s32 $_scs_section_size  }
0x18: {  	s5 =	simm.s32 $_size__tile_overlayer_lowered;
	s6 =	simm.s32 $_tile_overlayer_lowered  }
0x19: {  	s23 =	simm.s32 $0x1BFF;
	s22 =	sshll.u32 s6, $0x1;
	s3 =	sadd.s32 s20, s19  }
0x1a: {  	s7 =	simm.s32 $0x0;
	s21 =	sshll.u32 s5, $0x1;
	s5 =	sadd.s32 s22, s3  }
0x1b: {  	[timem:s7], [sflag:s23] =	dma.local [hbm:s5], s21  }
0x1c: {  	_ =	swait.ge [sflag:s23], s21  }
0x1d: {  	s4 =	ssub.s32 $0x0, s21;
	[sflag:s23] =	ssyncset.done $0x0  }
0x1e: {  	[sflag:s23] =	ssyncadd.s32 s4;
	_ =	sdelay $0x1  }
0x1f: {  	s24 =	simm.s32 $0x1B8B  }
0x20: {  	_ =	swait.ge [sflag:s24], $0x1  }
0x21: {  	[sflag:s24] =	ssyncset.done $0x0  }
0x22: {  	s26 =	simm.s32 $0x1B8E;
	s25 =	sld [smem:$0x3FFE];
	[sflag:s24] =	ssyncadd.s32 $0xFFFFFFFF  }
0x23: {  	s27 =	simm.s32 $execute0_lowered;
	[smem:$0x3FD2] =	sst s26  }
0x24: {  	s5 =	sshll.u32 s27, $0x1;
	_ =	strace $0x8000004C;
	[dreg:$0x1] =	wrdreg $0xFFFFFFFF  }
0x25: {  	s28 =	simm.s32 $_size_execute0_lowered;
	s3 =	sadd.s32 s3, s5;
	[dreg:$0x0] =	wrdreg $0x0  }
0x26: {  	s5 =	sshll.u32 s28, $0x1;
	[dreg:$0x2] =	wrdreg s3  }
0x27: {  	[dreg:$0x3] =	wrdreg s5  }
0x28: {  	[dreg:$0x4] =	wrdreg $0xC0  }
0x29: {  	_ =	task [dreg:s7], $0x5FFFF  }
0x2a: {  	[dreg:$0x1] =	wrdreg $0xFFFFFFFF  }
0x2b: {  	[dreg:$0x0] =	wrdreg $0x60  }
0x2c: {  	[dreg:$0x2] =	wrdreg s25  }
0x2d: {  	[dreg:$0x3] =	wrdreg s17  }
0x2e: {  	[dreg:$0x4] =	wrdreg $0x9  }
0x2f: {  	_ =	task.clear_ibuf [dreg:s7], $0x5FFFF;
	_ =	strace $0x9000004C  }
0x30: {  	s29 =	simm.s32 $0x9;
	_ =	strace $0x8000004E  }
0x31: {  	_ =	swait.ge [sflag:s29], $0x1  }
0x32: {  	[sflag:s29] =	ssyncadd.s32 $0xFFFFFFFF  }
0x33: {  	_ =	strace $0x9000004E  }
0x34: {  	_ =	sfence  }
0x35: {  	s30 =	sld [smem:$0x0];
	_ =	sdelay $0x2  }
0x36: {  	s31 =	sshll.u32 s1, $0xD;
	s1 =	sshrl.u32 s1, $0x2  }
0x37: {  	s3 =	sand.u32 $0x4000, s31;
	s1 =	sadd.s32 s1, s30  }
0x38: {  	s0 =	sor.u32 s3, s0;
	s1 =	sshll.u32 s1, $0x11  }
0x39: {  	s0 =	sor.u32 s1, s0  }
0x3a: {  	s0 =	sadd.s32 $0x8F2B, s0  }
0x3b: {  	[sflag:s0] =	ssyncadd.remote.s32 $0x1  }
0x3c: {  	_ =	sfence.sel $0xFFFF  }
0x3d: {  	[dreg:$0x0] =	wrdreg $0xFFFFFFFF;
	(pc) =	sbr.abs _section_cstart, $3  }
0x3e: {  	[dreg:$0x1] =	wrdreg $0xFFFFFFFF  }
0x3f: {  	_ =	task.clear_ibuf [dreg:s7], $0x2FFFF;
	_ =	strace $0x9FFFFFFF  }
0x40: {  	(tm) =	ssettm $0x7FFFFFFF  }
0x41: {  	_ =	shalt  }
tec
execute0_lowered:
.L_overlay_start_1:
0x0: {  	(tag) =	ssettag $0x1  }
0x1: {  	s1 =	rddreg [dreg:$0x0]  }
0x2: {  	s2 =	rddreg [dreg:$0x1]  }
0x3: {  	s0 =	rddreg [dreg:$0x2]  }
0x4: {  	s4 =	srdreg.scid;
	_ =	strace $0x8000004D;
	s6 =	simm.s32 $0x2  }
0x5: {  	s11 =	simm.s32 $0x0;
	p0 =	por $0x0, $0x0;
	s13 =	simm.s32 $0x0  }
.Ltmp0:
0x6: {  	s12 =	simm.s32 $0x0;
	s8 =	simm.s32 $0x0;
	(pc) =	sbr.rel .LBB1_1-.Ltmp0, $4  }
0x7: {  	s10 =	simm.s32 $0x0;
	s3 =	sadd.s32 $0x565A00, s1;
	s4 =	sshll.u32 s4, $0x4  }
0x8: {  	s1 =	stileid.u32;
	s5 =	sand.u32 $0x10, s4;
	s4 =	simm.s32 $0x1  }
0x9: {  	s7 =	simm.s32 $0x0;
	s5 =	sor.u32 s1, s5;
	[sflag:s4] =	ssyncpa.u1 $0x0  }
0xa: {  	[sflag:s6] =	ssyncpa.u1 $0x0;
	s6 =	simm.s32 $0x2A000;
	s9 =	smov.u32 s5  }
.LBB1_5:
0xb: {  	s14 =	sadd.s32 $0x80, s8  }
0xc: {  	s11 =	sadd.s32 $0x20, s9;
	s15 =	smov.u32 s9;
	p2 =	sgt.s32 s14, $0xDF  }
0xd: {  	s15 =	smov.u32 @p2 s11  }
0xe: {  	s11 =	simm.s32 $0x1;
	p3 =	sgt.s32 s15, $0xDF  }
0xf: {  	s11 =	simm.s32 @!p3 $0x0  }
0x10: {  	p1 =	slt.u32 s7, $0x2;
	s17 =	sadd.s32 s11, s10  }
0x11: {  	s7 =	sadd.s32 $0x1, s7;
	s14 =	simm.s32 @p2 $0x0;
	p2 =	sgt.s32 s17, $0x2  }
0x12: {  	s17 =	simm.s32 @p2 $0x0;
	p2 =	sne.s32 s7, $0x2C  }
.Ltmp1:
0x13: {  	s16 =	simm.s32 @!p1 $0x2;
	(pc) =	sbr.rel @!p2 .LBB1_6-.Ltmp1, $4  }
0x14: {  	s13 =	smov.u32 s9;
	_ =	swait.ge @!p1 [sflag:s16], $0x2000  }
0x15: {  	s12 =	smov.u32 s10;
	p0 =	por !p0, !p0;
	[sflag:s16] =	ssyncset.done @!p1 $0x0  }
0x16: {  	s15 =	smov.u32 @p3 s5;
	[sflag:s16] =	ssyncadd.s32 @!p1 $0xFFFFE000;
	s11 =	smov.u32 s8  }
0x17: {  	s8 =	smov.u32 s14;
	s9 =	smov.u32 s15;
	s10 =	smov.u32 s17  }
.LBB1_1:
0x18: {  	p1 =	sgt.u32 s7, $0x29;
	s16 =	smov.u32 s10  }
0x19: {  	s18 =	smov.u32 s9;
	s14 =	sand.u32 @!p1 $0x1FFFFFF, s8;
	p2 =	sgt.s32 @!p1 s10, $0x2  }
0x1a: {  	s17 =	sshra.s32 @!p1 s10, $0x1F;
	s19 =	sshra.s32 @!p1 s9, $0x1F;
	p2 =	por !p2, p1  }
0x1b: {  	s15 =	smulhi.u32 @!p1 $0x2492493, s14;
	s16 =	simm.s32 @p2 $0x2;
	p2 =	sgt.s32 @!p1 s9, $0xDF  }
0x1c: {  	s17 =	sand.u32 @!p1 s17, s10;
	s19 =	sand.u32 @!p1 s19, s9;
	p2 =	por !p2, p1  }
0x1d: {  	s15 =	sshrl.u32 @!p1 s15, $0x1;
	s16 =	ssub.s32 @!p1 s16, s17;
	s18 =	simm.s32 @p2 $0xDF  }
0x1e: {  	p2 =	sgt.s32 @!p1 s8, $0x60;
	s16 =	sadd.s32 @!p1 $0xFFFFFFFE, s16;
	s17 =	ssub.s32 @!p1 s18, s19  }
0x1f: {  	p2 =	por !p2, p1;
	s19 =	smov.u32 s8;
	s18 =	sadd.s32 @!p1 $0xFFFFFF21, s17  }
0x20: {  	s19 =	simm.s32 @p2 $0x60;
	p3 =	sgt.s32 @!p1 s18, $0x0;
	s18 =	sshra.s32 @!p1 s8, $0x1F  }
0x21: {  	p2 =	sgt.s32 @!p1 s16, $0x0;
	s16 =	sshll.u32 @!p1 s16, $0x6;
	s18 =	sand.u32 @!p1 s18, s8  }
0x22: {  	s17 =	ssub.s32 @!p1 $0xE0, s17;
	s16 =	ssub.s32 @!p1 $0x40, s16;
	s18 =	ssub.s32 @!p1 s19, s18  }
0x23: {  	p2 =	por !p2, p1;
	p3 =	por !p3, p1;
	s19 =	sadd.s32 @!p1 $0xFFFFFFA0, s18  }
0x24: {  	s16 =	simm.s32 @!p2 $0x0;
	s17 =	simm.s32 @!p3 $0x0;
	p3 =	sgt.s32 @!p1 s19, $0x7F  }
0x25: {  	s18 =	ssub.s32 @!p1 $0xE0, s18;
	s16 =	smul.u32 @!p1 s17, s16;
	p2 =	por !p3, p1  }
0x26: {  	s15 =	smul.u32 @!p1 $0xE0, s15;
	s18 =	simm.s32 @!p2 $0x0  }
0x27: {  	s16 =	smul.u32 @!p1 s18, s16  }
0x28: {  	s18 =	smul.u32 @!p1 $0xC4000, s10  }
0x29: {  	s14 =	ssub.s32 @!p1 s14, s15;
	s17 =	sxor.u32 @!p1 $0xFFFFFFFF, s7;
	s19 =	smul.u32 @!p1 $0xE00, s9  }
0x2a: {  	s14 =	sshll.u32 @!p1 s14, $0x4;
	s17 =	sshll.u32 @!p1 s17, $0xD;
	s15 =	sadd.s32 @!p1 s3, s18  }
0x2b: {  	s17 =	sand.u32 @!p1 $0x2000, s17;
	s16 =	sand.u32 @!p1 $0x3FFFFFC0, s16;
	s15 =	sadd.s32 @!p1 s19, s15  }
0x2c: {  	s18 =	simm.s32 @!p1 $0x80;
	s14 =	sadd.s32 @!p1 s14, s15;
	s15 =	simm.s32 @!p1 $0x40  }
0x2d: {  	[tilespmem:s17], [sflag:$0x1] =	stream.strided.gather @!p1 [hbm4b:s14+s15], s16, s18, s15, $0x38;
	[tilespmem:$0x8080] =	vst v63  }
0x2e: {  	p1 =	seq.s32 s7, $0x0  }
0x2f: {  	p2 =	seq.s32 @!p1 s7, $0x2B  }
0x30: {  	p1 =	por p1, p2  }
.Ltmp2:
0x31: {  	_ = 	snop;
	(pc) =	sbr.rel @p1 .LBB1_5-.Ltmp2, $1  }
0x32: {  	_ =	sdelay $0x3  }
0x33: {  	p1 =	sgt.s32 s12, $0x2  }
0x34: {  	s14 =	smov.u32 s12;
	s15 =	sshra.s32 s12, $0x1F;
	s16 =	sshra.s32 s13, $0x1F  }
0x35: {  	p2 =	sgt.s32 s11, $0x60;
	s14 =	simm.s32 @!p1 $0x2;
	s15 =	sand.u32 s15, s12  }
0x36: {  	s18 =	sshra.s32 s11, $0x1F;
	p1 =	sgt.s32 s13, $0xDF;
	s14 =	ssub.s32 s14, s15  }
0x37: {  	s16 =	sand.u32 s16, s13;
	s15 =	smov.u32 s13;
	s14 =	sadd.s32 $0xFFFFFFFE, s14  }
0x38: {  	s26 =	sand.u32 s18, s11;
	s15 =	simm.s32 @!p1 $0xDF;
	p1 =	sgt.s32 s14, $0x0  }
0x39: {  	s15 =	ssub.s32 s15, s16;
	s16 =	smov.u32 s11;
	s14 =	sshll.u32 s14, $0x6  }
0x3a: {  	s17 =	sadd.s32 $0xFFFFFF21, s15;
	s16 =	simm.s32 @!p2 $0x60;
	s15 =	ssub.s32 $0xE0, s15  }
0x3b: {  	s14 =	ssub.s32 $0x40, s14;
	p2 =	sgt.s32 s17, $0x0;
	s16 =	ssub.s32 s16, s26  }
0x3c: {  	s14 =	simm.s32 @p1 $0x0;
	s15 =	simm.s32 @p2 $0x0;
	s17 =	sadd.s32 $0xFFFFFFA0, s16  }
0x3d: {  	s16 =	ssub.s32 $0xE0, s16;
	p1 =	sgt.s32 s17, $0x7F;
	s14 =	smul.u32 s15, s14  }
0x3e: {  	s16 =	simm.s32 @p1 $0x0  }
0x3f: {  	s14 =	smul.u32 s16, s14;
	_ =	sdelay $0x1  }
0x40: {  	s15 =	simm.s32 $0x1;
	s14 =	sand.u32 $0x3FFFFFC0, s14  }
0x41: {  	s15 =	simm.s32 @!p0 $0x0;
	_ =	swait.ge [sflag:s4], s14  }
0x42: {  	s27 =	sshll.u32 s15, $0xD;
	s14 =	ssub.s32 $0x0, s14;
	[sflag:s4] =	ssyncset.done $0x0  }
0x43: {  	s28 =	sor.u32 $0x20, s27;
	[sflag:s4] =	ssyncadd.s32 s14  }
0x44: {  	s29 =	smul.u32 $0x8100, s15;
	v3 =	vld [tilespmem:s28+$0x10]  }
0x45: {  	s30 =	sand.u32 $0x1, s7;
	v2 =	vld [tilespmem:s28+$0xFFFFFFF0]  }
0x46: {  	s15 =	smul.u32 $0x8100, s30;
	s14 =	sshrl.u32 s29, $0x2;
	v0 =	vld [tilespmem:s28+$0x0]  }
0x47: {  	s16 =	sor.u32 $0x4000, s14;
	v1 =	vld [tilespmem:s28+$0xFFFFFFE0]  }
0x48: {  	s31 =	sshrl.u32 s15, $0x2;
	s15 =	sadd.s32 $0x0, s16  }
0x49: {  	s17 =	simm.s32 $0x4;
	s18 =	sadd.s32 $0x40, s28;
	s14 =	sor.u32 $0x4000, s31;
	[tilespmem:s15+$0x1830 ss:$0x81] =	vst.msk $0xffff, v3  }
.LBB1_3:
0x4a: {  	v3 =	vld [tilespmem:s18+$0x10];
	p1 =	sne.s32 s17, $0x1FC;
	[tilespmem:s15+$0x810 ss:$0x81] =	vst.msk $0xffff, v2;
	s19 =	smov.u32 s17;
	s17 =	sadd.s32 $0x4, s17  }
.Ltmp3:
0x4b: {  	v2 =	vld [tilespmem:s18+$0xFFFFFFF0];
	[tilespmem:s15+$0x1020 ss:$0x81] =	vst.msk $0xffff, v0;
	(pc) =	sbr.rel @p1 .LBB1_3-.Ltmp3, $4  }
0x4c: {  	v0 =	vld [tilespmem:s18+$0x0];
	[tilespmem:s15+$0x0 ss:$0x81] =	vst.msk $0xffff, v1  }
0x4d: {  	s15 =	sshra.s32 s19, $0x2;
	v1 =	vld [tilespmem:s18+$0xFFFFFFE0]  }
0x4e: {  	s15 =	sadd.s32 s15, s16  }
0x4f: {  	s18 =	sadd.s32 $0x40, s18;
	[tilespmem:s15+$0x1830 ss:$0x81] =	vst.msk $0xffff, v3  }
0x50: {  	s16 =	sshll.u32 s13, $0x8;
	s17 =	sshll.u32 s11, $0x3  }
0x51: {  	s28 =	sshll.u32 s13, $0x7;
	s16 =	sand.u32 $0xFFFFF800, s16;
	s17 =	sand.u32 $0xFFFFFC00, s17  }
0x52: {  	s29 =	sand.u32 $0x300, s28;
	s16 =	sadd.s32 s16, s17  }
0x53: {  	s16 =	sor.u32 s29, s16  }
0x54: {  	s16 =	sshrl.u32 s16, $0x8  }
0x55: {  	s30 =	smulhi.u32 $0x124924A, s16  }
0x56: {  	s12 =	smul.u32 $0x1C00, s12  }
0x57: {  	s18 =	sand.u32 $0x78, s11;
	s13 =	sand.u32 $0x80, s28;
	s17 =	smul.u32 $0xE0, s30  }
.Ltmp4:
0x58: {  	s31 =	sand.u32 $0x7, s11;
	s13 =	sor.u32 s18, s13;
	(pc) =	sbr.rel .LBB1_5-.Ltmp4, $4  }
0x59: {  	[tilespmem:s15+$0x810 ss:$0x81] =	vst.msk $0xffff, v2;
	s12 =	sadd.s32 s2, s12;
	s13 =	sshrl.u32 s13, $0x3;
	s16 =	ssub.s32 s16, s17  }
0x5a: {  	[tilespmem:s15+$0x1020 ss:$0x81] =	vst.msk $0xffff, v0;
	s11 =	sshll.u32 s31, $0x12;
	s12 =	sadd.s32 s13, s12;
	s16 =	sshll.u32 s16, $0x5  }
0x5b: {  	[tilespmem:s15+$0x0 ss:$0x81] =	vst.msk $0xffff, v1;
	s11 =	sor.u32 $0x80, s11;
	s12 =	sadd.s32 s16, s12  }
0x5c: {  	[hbm4b:s12+s11] =	stream.strided.scatter [tilespmem:s14], [sflag:$0x2], $0x2000, s6, s11, $0x20;
	[tilespmem:$0x8080] =	vst v63  }
.LBB1_6:
0x5d: {  	_ =	sfence.sel $0x180000  }
0x5e: {  	s2 =	simm.s32 $0x1;
	[bflag:$0x0] =	sbarrier.arrive $0xFFFF  }
0x5f: {  	s31 =	simm.s32 $0x2;
	[sflag:s2] =	ssyncpa.u1 $0x1  }
0x60: {  	[sflag:s31] =	ssyncpa.u1 $0x1  }
0x61: {  	p0 =	sne.s32 s1, $0x0;
	_ =	strace $0x9000004D  }
0x62: {  	s0 =	sadd.s32 @!p0 $0x100000, s0;
	[bflag:$0x2] =	sbarrier.arrive $0xFFFF  }
0x63: {  	[sflag:s0] =	ssyncadd.tile.s32 @!p0 $0x1;
	_ =	shalt  }
.Lfunc_end1:
_tile_overlayer_lowered:
.L_overlay_start_2:
0x64: {  	(tag) =	ssettag $0x2  }
0x65: {  	s0 =	rddreg [dreg:$0x0];
	s2 =	stileid.u32  }
0x66: {  	s1 =	rddreg [dreg:$0x1];
	p0 =	sne.s32 s2, $0x0  }
0x67: {  	s3 =	rddreg [dreg:$0x2];
	[bflag:$0x3] =	sbarrier.arrive $0xFFFF;
	s2 =	simm.s32 @!p0 $0x1C01  }
0x68: {  	[timem:s3], [sflag:s2] =	dma.local @!p0 [hbm:s0], s1  }
0x69: {  	s0 =	simm.s32 @!p0 $0x1  }
0x6a: {  	_ =	swait.ge @!p0 [sflag:s0], s1  }
0x6b: {  	s1 =	ssub.s32 @!p0 $0x0, s1;
	[sflag:s0] =	ssyncset.done @!p0 $0x0  }
0x6c: {  	[sflag:s0] =	ssyncadd.s32 @!p0 s1  }
0x6d: {  	[bflag:$0x3] =	sbarrier.arrive $0xFFFF  }
0x6e: {  	_ =	shalt  }

</sc_bundles>
